<compile_context>
chip_gen: v7x
topology: tpu7x:2x2x1
jax: 0.10.2.dev20260603
libtpu: 0.0.44.dev20260713+nightly
codegen_flags: <defaults>
</compile_context>

<pallas_src>
import math
import numpy as np
import jax
import jax.numpy as jnp
from jax.experimental import pallas as pl
from jax.experimental.pallas import tpu as pltpu

_B = 4096
_K = 8192
_NCH = 8
_BLK = 256
_NBLK = _B // _BLK
_JCH = 512
_UQ = 0.9
_LQ = 0.1

_INTERPRET = False


def _build_k_tables():
    size = 33 * 128
    kup = np.zeros((size,), np.int32)
    klo = np.zeros((size,), np.int32)
    for n in range(0, _B + 1):
        nf = float(max(n, 1))
        ua = math.ceil((nf + 1.0) * _UQ) / nf
        if ua > 1.0:
            ua = _UQ
        la = math.floor((nf + 1.0) * _LQ) / nf
        if la < 0.0:
            la = _LQ
        kup[n] = min(max(int(math.floor(ua * (nf - 1.0))), 0), _B - 1)
        klo[n] = min(max(int(math.floor(la * (nf - 1.0))), 0), _B - 1)
    return kup.reshape(33, 128), klo.reshape(33, 128)


_KUP_TAB, _KLO_TAB = _build_k_tables()


def _k1(q_col, q_row, ch_col, ch_row, kup_tab, klo_tab, z, Wc, b1r, Whall, W2c,
        b2c, bhr, heads_out, s1_out, thr_scr, base_scr):
    p = pl.program_id(0)

    zb = z[...]
    hh = jnp.dot(zb.astype(jnp.bfloat16), Wc[...].astype(jnp.bfloat16),
                 preferred_element_type=jnp.float32) + b1r[...]
    hh = 0.5 * hh * (1.0 + jax.lax.erf(hh * np.float32(1.0 / math.sqrt(2.0))))
    WW = jnp.dot(Whall[...], W2c[...], preferred_element_type=jnp.float32)
    CC = jnp.dot(Whall[...], b2c[...], preferred_element_type=jnp.float32)
    cols = []
    for t in range(3):
        ht = (hh[:, 2 * t:2 * t + 1] * WW[t:t + 1, 2 * t:2 * t + 1]
              + hh[:, 2 * t + 1:2 * t + 2] * WW[t:t + 1, 2 * t + 1:2 * t + 2]
              + (CC[t:t + 1, t:t + 1] + bhr[:, t:t + 1]))
        cols.append(ht)
    cols.append(jnp.zeros((_BLK, 5), jnp.float32))
    heads_out[...] = jnp.concatenate(cols, axis=1)

    qj = q_row[...]
    cj = ch_row[...]
    qb_row = jax.lax.bitcast_convert_type(qj, jnp.int32)

    @pl.when(p == 0)
    def _():
        tab_idx = (jax.lax.broadcasted_iota(jnp.int32, (33, 128), 0) * 128
                   + jax.lax.broadcasted_iota(jnp.int32, (33, 128), 1))
        rows = jax.lax.broadcasted_iota(jnp.int32, (16, 1), 0)
        chv = rows & 7
        chmask = cj == chv
        kvec = jnp.zeros((16, 1), jnp.int32)
        for c in range(_NCH):
            n_c = jnp.sum((cj == c).astype(jnp.float32)).astype(jnp.int32)
            kup_c = jnp.sum(jnp.where(tab_idx == n_c, kup_tab[...], 0).astype(jnp.float32)).astype(jnp.int32)
            klo_c = jnp.sum(jnp.where(tab_idx == n_c, klo_tab[...], 0).astype(jnp.float32)).astype(jnp.int32)
            kvec = jnp.where(rows == c, kup_c, kvec)
            kvec = jnp.where(rows == c + _NCH, klo_c, kvec)

        def body(_, carry):
            lo, hi = carry
            mid = lo + jnp.right_shift(hi - lo, 1)
            cnt = jnp.sum((chmask & (qb_row <= mid)).astype(jnp.float32),
                          axis=1, keepdims=True).astype(jnp.int32)
            ge = cnt >= kvec + 1
            return (jnp.where(ge, lo, mid + 1), jnp.where(ge, mid, hi))

        lo0 = jnp.zeros((16, 1), jnp.int32)
        hi0 = jnp.full((16, 1), 1 << 30, jnp.int32)
        lo_f, _hi = jax.lax.fori_loop(0, 31, body, (lo0, hi0))
        thr_scr[...] = lo_f
        base_scr[...] = jnp.zeros((1, _NCH), jnp.int32)
        s1_out[...] = jnp.zeros((1, _B), jnp.float32)

    qi = q_col[...]
    ci = ch_col[...]
    qbi = jax.lax.bitcast_convert_type(qi, jnp.int32)
    upb = jnp.zeros((_BLK, 1), jnp.int32)
    lob = jnp.zeros((_BLK, 1), jnp.int32)
    for c in range(_NCH):
        upb = jnp.where(ci == c, thr_scr[c:c + 1, 0:1], upb)
        lob = jnp.where(ci == c, thr_scr[c + _NCH:c + _NCH + 1, 0:1], lob)
    u = qbi >= upb
    l = qbi <= lob
    ui = u.astype(jnp.int32)
    li = l.astype(jnp.int32)
    vf = jnp.left_shift(ui + 2 * li, 2 * ci).astype(jnp.float32)

    chb = ch_row[0:1, pl.ds(p * _BLK, _BLK)]
    same_i = chb == ci
    jloc = jax.lax.broadcasted_iota(jnp.int32, (_BLK, _BLK), 1)
    iloc = jax.lax.broadcasted_iota(jnp.int32, (_BLK, _BLK), 0)
    intra = jnp.sum((same_i & (jloc < iloc)).astype(jnp.float32),
                    axis=1, keepdims=True).astype(jnp.int32)
    base = base_scr[...]
    baser = jnp.zeros((_BLK, 1), jnp.int32)
    cnts = []
    for c in range(_NCH):
        baser = jnp.where(ci == c, base[0:1, c:c + 1], baser)
        cnts.append(jnp.sum((ci == c).astype(jnp.float32), keepdims=True).astype(jnp.int32))
    base_scr[...] = base + jnp.concatenate(cnts, axis=1)
    rnk = baser + intra

    for jc in range(_B // _JCH):
        @pl.when(p >= 2 * jc)
        def _(jc=jc):
            sl = slice(jc * _JCH, (jc + 1) * _JCH)
            jdx = jc * _JCH + jax.lax.broadcasted_iota(jnp.int32, (_BLK, _JCH), 1)
            onehot = jdx == rnk
            s1_out[:, sl] += jnp.sum(jnp.where(onehot, vf, 0.0), axis=0,
                                     keepdims=True)


def _k2(q2, ch2, hu, hn, hl, s1, ref_out, qwa_out):
    S = s1[...].astype(jnp.int32)
    idx = (jax.lax.broadcasted_iota(jnp.int32, (32, 128), 0) * 128
           + jax.lax.broadcasted_iota(jnp.int32, (32, 128), 1))
    ch = ch2[...]
    ns, valids, mfs = [], [], []
    acc_u = jnp.zeros((32, 128), jnp.int32)
    acc_n = jnp.zeros((32, 128), jnp.int32)
    acc_l = jnp.zeros((32, 128), jnp.int32)
    for c in range(_NCH):
        n_c = jnp.sum((ch == c).astype(jnp.float32)).astype(jnp.int32)
        valid = idx < n_c
        u_c = jax.lax.shift_right_logical(S, jnp.int32(2 * c)) & 1
        l_c = jax.lax.shift_right_logical(S, jnp.int32(2 * c + 1)) & 1
        vi = valid.astype(jnp.int32)
        n_c_flag = vi * (1 - u_c) * (1 - l_c)
        acc_u = acc_u + u_c
        acc_n = acc_n + n_c_flag
        acc_l = acc_l + l_c
        valids.append(valid)
        mfs.append((u_c + l_c + n_c_flag).astype(jnp.float32))
    logits = jnp.where(acc_u > 0, hu[...], jnp.zeros_like(hu[...]))
    logits = jnp.where(acc_n > 0, hn[...], logits)
    logits = jnp.where(acc_l > 0, hl[...], logits)
    qwa = jnp.zeros((32, 128), jnp.float32)
    for c in range(_NCH):
        valid = valids[c]
        xm = jnp.max(jnp.where(valid, logits, -jnp.inf))
        e = jnp.exp(logits - xm)
        denom = jnp.sum(jnp.where(valid, e * mfs[c], 0.0))
        qwa = jnp.where(valid, e / denom, qwa)
    qwa_out[...] = qwa
    ref_out[...] = q2[...] * qwa


def kernel(z, q, ch_ids, W1_0, b1_0, W2_0, b2_0, Wh_0, bh_0,
           W1_1, b1_1, W2_1, b2_1, Wh_1, bh_1,
           W1_2, b1_2, W2_2, b2_2, Wh_2, bh_2):
    with jax.enable_x64(False):
        return _impl(z, q, ch_ids, W1_0, b1_0, W2_0, b2_0, Wh_0, bh_0,
                     W1_1, b1_1, W2_1, b2_1, Wh_1, bh_1,
                     W1_2, b1_2, W2_2, b2_2, Wh_2, bh_2)


def _impl(z, q, ch_ids, W1_0, b1_0, W2_0, b2_0, Wh_0, bh_0,
          W1_1, b1_1, W2_1, b2_1, Wh_1, bh_1,
          W1_2, b1_2, W2_2, b2_2, Wh_2, bh_2):
    q = q.astype(jnp.float32)
    ch = ch_ids.astype(jnp.int32)
    z2 = z.reshape(_B, _K)
    q_col = q.reshape(_B, 1)
    q_row = q.reshape(1, _B)
    ch_col = ch.reshape(_B, 1)
    ch_row = ch.reshape(1, _B)
    Wc = jnp.concatenate([W1_0.T, W1_1.T, W1_2.T,
                          jnp.zeros((_K, 2), jnp.float32)], axis=1)
    b1r = jnp.concatenate([b1_0, b1_1, b1_2,
                           jnp.zeros((2,), jnp.float32)]).reshape(1, 8)
    Whall = jnp.concatenate([Wh_0, Wh_1, Wh_2,
                             jnp.zeros((5, _K), jnp.float32)], axis=0)
    W2c = jnp.concatenate([W2_0, W2_1, W2_2,
                           jnp.zeros((_K, 2), jnp.float32)], axis=1)
    b2c = jnp.stack([b2_0, b2_1, b2_2] + [jnp.zeros((_K,), jnp.float32)] * 5,
                    axis=1)
    bhr = jnp.concatenate([bh_0, bh_1, bh_2,
                           jnp.zeros((5,), jnp.float32)]).reshape(1, 8)
    kup_tab = jnp.asarray(_KUP_TAB)
    klo_tab = jnp.asarray(_KLO_TAB)

    heads, s1o = pl.pallas_call(
        _k1,
        grid=(_NBLK,),
        in_specs=[
            pl.BlockSpec((_BLK, 1), lambda i: (i, 0)),
            pl.BlockSpec((1, _B), lambda i: (0, 0)),
            pl.BlockSpec((_BLK, 1), lambda i: (i, 0)),
            pl.BlockSpec((1, _B), lambda i: (0, 0)),
            pl.BlockSpec((33, 128), lambda i: (0, 0)),
            pl.BlockSpec((33, 128), lambda i: (0, 0)),
            pl.BlockSpec((_BLK, _K), lambda i: (i, 0)),
            pl.BlockSpec((_K, 8), lambda i: (0, 0)),
            pl.BlockSpec((1, 8), lambda i: (0, 0)),
            pl.BlockSpec((8, _K), lambda i: (0, 0)),
            pl.BlockSpec((_K, 8), lambda i: (0, 0)),
            pl.BlockSpec((_K, 8), lambda i: (0, 0)),
            pl.BlockSpec((1, 8), lambda i: (0, 0)),
        ],
        out_specs=[
            pl.BlockSpec((_BLK, 8), lambda i: (i, 0)),
            pl.BlockSpec((1, _B), lambda i: (0, 0)),
        ],
        out_shape=[
            jax.ShapeDtypeStruct((_B, 8), jnp.float32),
            jax.ShapeDtypeStruct((1, _B), jnp.float32),
        ],
        scratch_shapes=[
            pltpu.VMEM((16, 1), jnp.int32),
            pltpu.VMEM((1, _NCH), jnp.int32),
        ],
        interpret=_INTERPRET,
    )(q_col, q_row, ch_col, ch_row, kup_tab, klo_tab, z2, Wc, b1r, Whall, W2c,
      b2c, bhr)

    q2 = q.reshape(32, 128)
    ch2 = ch.reshape(32, 128)
    hu = heads[:, 0].reshape(32, 128)
    hn = heads[:, 1].reshape(32, 128)
    hl = heads[:, 2].reshape(32, 128)
    s1d = s1o.reshape(32, 128)

    refined, qwa = pl.pallas_call(
        _k2,
        out_shape=[
            jax.ShapeDtypeStruct((32, 128), jnp.float32),
            jax.ShapeDtypeStruct((32, 128), jnp.float32),
        ],
        interpret=_INTERPRET,
    )(q2, ch2, hu, hn, hl, s1d)

    return refined.reshape(_B), qwa.reshape(_B)

# --- scband reference (transcript-rebuilt; emitter-appended) ---
"""Pipeline reference for scband-qwa-48661979464273 (READ-ONLY COPY).

The authoritative reference and input builder live on the scoring server;
editing this copy changes nothing except your own understanding.
"""

import math
import jax, jax.numpy as jnp
import numpy as np

jax.config.update("jax_enable_x64", True)

B = 4096
D_MODEL = 128
NUM_PATCHES = 64
LATENT = D_MODEL * NUM_PATCHES
HIDDEN = 2
NUM_CH = 8
UQ = 0.9
LQ = 0.1


def _xavier(key, shape):
    fan_out, fan_in = shape
    limit = math.sqrt(6.0 / (fan_in + fan_out))
    return jax.random.uniform(key, shape, jnp.float32, -limit, limit)


def setup_inputs(seed: int = 0):
    key = jax.random.key(seed)
    ks = jax.random.split(key, 32)
    inp = {}
    inp["z"] = jax.random.normal(ks[0], (B, NUM_PATCHES, D_MODEL), jnp.float32)
    inp["q"] = jax.random.uniform(ks[1], (B,), jnp.float32)
    inp["ch_ids"] = jax.random.randint(ks[2], (B,), 0, NUM_CH).astype(jnp.int64)
    for i in range(3):
        inp[f"W1_{i}"] = _xavier(ks[3 + 6 * i], (HIDDEN, LATENT))
        inp[f"b1_{i}"] = jnp.zeros((HIDDEN,), jnp.float32)
        inp[f"W2_{i}"] = _xavier(ks[4 + 6 * i], (LATENT, HIDDEN))
        inp[f"b2_{i}"] = jnp.zeros((LATENT,), jnp.float32)
        inp[f"Wh_{i}"] = _xavier(ks[5 + 6 * i], (1, LATENT))
        inp[f"bh_{i}"] = jnp.zeros((1,), jnp.float32)
    return inp


def _quantile_separator(q_np, ch_np):
    # Faithful port of QWA.quantile_separator, including local-index semantics.
    q_idx = []
    uppers, lowers, normals = [], [], []
    for ch in np.unique(ch_np):
        mask = np.nonzero(ch_np == ch)[0]
        q_ch = q_np[mask].astype(np.float64)
        n = len(q_ch)
        ua = math.ceil((n + 1) * UQ) / n
        if ua > 1:
            ua = UQ
        la = math.floor((n + 1) * LQ) / n
        if la < 0:
            la = LQ
        up = np.quantile(q_ch, ua, method="lower")
        lo = np.quantile(q_ch, la, method="lower")
        ui = np.nonzero(q_ch >= up)[0]
        li = np.nonzero(q_ch <= lo)[0]
        ni = np.nonzero((q_ch > lo) & (q_ch < up))[0]
        q_idx.append((int(ch), li, ni, ui))
        uppers.append(ui)
        lowers.append(li)
        normals.append(ni)
    return q_idx, np.concatenate(uppers), np.concatenate(lowers), np.concatenate(normals)


def _backbone(zb, W1, b1, W2, b2):
    flat = zb.reshape((zb.shape[0], -1))
    h = jax.nn.gelu(flat @ W1.T + b1, approximate=False)
    return h @ W2.T + b2


def reference(z, q, ch_ids, W1_0, b1_0, W2_0, b2_0, Wh_0, bh_0, W1_1, b1_1, W2_1, b2_1, Wh_1, bh_1, W1_2, b1_2, W2_2, b2_2, Wh_2, bh_2):
    pos = jnp.arange(B)
    ch_flags = []
    is_upper = jnp.zeros((B,), jnp.bool_)
    is_normal = jnp.zeros((B,), jnp.bool_)
    is_lower = jnp.zeros((B,), jnp.bool_)
    for ch in range(NUM_CH):
        mask = ch_ids == ch
        n = jnp.sum(mask)
        nf = jnp.maximum(n, 1).astype(jnp.float64)
        ua = jnp.ceil((nf + 1.0) * UQ) / nf
        ua = jnp.where(ua > 1.0, UQ, ua)
        la = jnp.floor((nf + 1.0) * LQ) / nf
        la = jnp.where(la < 0.0, LQ, la)
        qs = jnp.sort(jnp.where(mask, q, jnp.inf))
        k_up = jnp.clip(jnp.floor(ua * (nf - 1.0)).astype(jnp.int64), 0, B - 1)
        k_lo = jnp.clip(jnp.floor(la * (nf - 1.0)).astype(jnp.int64), 0, B - 1)
        up = qs[k_up]
        lo = qs[k_lo]
        order = jnp.argsort(jnp.where(mask, pos, B))
        q_loc = q[order]
        valid = pos < n
        ui = valid & (q_loc >= up)
        li = valid & (q_loc <= lo)
        ni = valid & (q_loc > lo) & (q_loc < up)
        ch_flags.append((li, ni, ui, valid))
        is_upper = is_upper | ui
        is_normal = is_normal | ni
        is_lower = is_lower | li
    zu = _backbone(z, W1_0, b1_0, W2_0, b2_0)
    zn = _backbone(z, W1_1, b1_1, W2_1, b2_1)
    zl = _backbone(z, W1_2, b1_2, W2_2, b2_2)
    head_u = jnp.squeeze(zu @ Wh_0.T + bh_0)
    head_n = jnp.squeeze(zn @ Wh_1.T + bh_1)
    head_l = jnp.squeeze(zl @ Wh_2.T + bh_2)
    logits = jnp.zeros_like(q)
    logits = jnp.where(is_upper, head_u, logits)
    logits = jnp.where(is_normal, head_n, logits)
    logits = jnp.where(is_lower, head_l, logits)
    qwa_coeff = jnp.zeros_like(q)
    for (li, ni, ui, valid) in ch_flags:
        m = (li.astype(logits.dtype) + ni.astype(logits.dtype) + ui.astype(logits.dtype))
        x_max = jnp.max(jnp.where(valid, logits, -jnp.inf))
        e = jnp.exp(logits - x_max)
        denom = jnp.sum(e * jnp.where(valid, m, 0.0))
        s = e / denom
        qwa_coeff = jnp.where(valid, s, qwa_coeff)
    refined_probs = q * qwa_coeff
    return (refined_probs, qwa_coeff)

if __name__ == "__main__":
    import jax
    _d = setup_inputs()
    print(jax.jit(kernel)(*tuple(_d.values())))

</pallas_src>

<mosaic_0001>
module attributes {stable_mosaic.version = 14 : i64} {
  func.func @_k1(%arg0: i32, %arg1: memref<256x1xf32, #tpu.memory_space<vmem>>, %arg2: memref<1x4096xf32, #tpu.memory_space<vmem>>, %arg3: memref<256x1xi32, #tpu.memory_space<vmem>>, %arg4: memref<1x4096xi32, #tpu.memory_space<vmem>>, %arg5: memref<33x128xi32, #tpu.memory_space<vmem>>, %arg6: memref<33x128xi32, #tpu.memory_space<vmem>>, %arg7: memref<256x8192xf32, #tpu.memory_space<vmem>>, %arg8: memref<8192x8xf32, #tpu.memory_space<vmem>>, %arg9: memref<1x8xf32, #tpu.memory_space<vmem>>, %arg10: memref<8x8192xf32, #tpu.memory_space<vmem>>, %arg11: memref<8192x8xf32, #tpu.memory_space<vmem>>, %arg12: memref<8192x8xf32, #tpu.memory_space<vmem>>, %arg13: memref<1x8xf32, #tpu.memory_space<vmem>>, %arg14: memref<256x8xf32, #tpu.memory_space<vmem>>, %arg15: memref<1x4096xf32, #tpu.memory_space<vmem>>, %arg16: memref<16x1xi32, #tpu.memory_space<vmem>>, %arg17: memref<1x8xi32, #tpu.memory_space<vmem>>) attributes {dimension_semantics = [#tpu.dimension_semantics<arbitrary>], iteration_bounds = array<i64: 16>, scalar_prefetch = 0 : i64, scratch_operands = 2 : i64, tpu.core_type = #tpu.core_type<tc>, window_params = [{transform_indices = @transform_0, window_bounds = array<i64: 256, 1>}, {pipeline_mode = #tpu.pipeline_mode<synchronous>, transform_indices = @transform_1, window_bounds = array<i64: 1, 4096>}, {transform_indices = @transform_2, window_bounds = array<i64: 256, 1>}, {pipeline_mode = #tpu.pipeline_mode<synchronous>, transform_indices = @transform_3, window_bounds = array<i64: 1, 4096>}, {pipeline_mode = #tpu.pipeline_mode<synchronous>, transform_indices = @transform_4, window_bounds = array<i64: 33, 128>}, {pipeline_mode = #tpu.pipeline_mode<synchronous>, transform_indices = @transform_5, window_bounds = array<i64: 33, 128>}, {transform_indices = @transform_6, window_bounds = array<i64: 256, 8192>}, {pipeline_mode = #tpu.pipeline_mode<synchronous>, transform_indices = @transform_7, window_bounds = array<i64: 8192, 8>}, {pipeline_mode = #tpu.pipeline_mode<synchronous>, transform_indices = @transform_8, window_bounds = array<i64: 1, 8>}, {pipeline_mode = #tpu.pipeline_mode<synchronous>, transform_indices = @transform_9, window_bounds = array<i64: 8, 8192>}, {pipeline_mode = #tpu.pipeline_mode<synchronous>, transform_indices = @transform_10, window_bounds = array<i64: 8192, 8>}, {pipeline_mode = #tpu.pipeline_mode<synchronous>, transform_indices = @transform_11, window_bounds = array<i64: 8192, 8>}, {pipeline_mode = #tpu.pipeline_mode<synchronous>, transform_indices = @transform_12, window_bounds = array<i64: 1, 8>}, {transform_indices = @transform_13, window_bounds = array<i64: 256, 8>}, {pipeline_mode = #tpu.pipeline_mode<synchronous>, transform_indices = @transform_14, window_bounds = array<i64: 1, 4096>}]} {
    %get3A = arith.constant 0 : index
    %get3A_0 = arith.constant 0 : index
    %get3A_1 = vector.load %arg7[%get3A, %get3A_0] : memref<256x8192xf32, #tpu.memory_space<vmem>>, vector<256x8192xf32>
    %convert_element_type3A = arith.truncf %get3A_1 : vector<256x8192xf32> to vector<256x8192xbf16>
    %get3A_2 = arith.constant 0 : index
    %get3A_3 = arith.constant 0 : index
    %get3A_4 = vector.load %arg8[%get3A_2, %get3A_3] : memref<8192x8xf32, #tpu.memory_space<vmem>>, vector<8192x8xf32>
    %convert_element_type3A_5 = arith.truncf %get3A_4 : vector<8192x8xf32> to vector<8192x8xbf16>
    %dot_general3A = arith.constant dense<0.000000e+00> : vector<256x8xf32>
    %dot_general3A_6 = tpu.matmul %convert_element_type3A, %convert_element_type3A_5, %dot_general3A {dimension_numbers = #tpu.dot_dimension_numbers<[1], [0], [0], [1], [0, 0, 1, 1], [], []>, transpose_lhs_hint = false} : vector<256x8192xbf16>, vector<8192x8xbf16>, vector<256x8xf32> -> vector<256x8xf32>
    %get3A_7 = arith.constant 0 : index
    %get3A_8 = arith.constant 0 : index
    %get3A_9 = vector.load %arg9[%get3A_7, %get3A_8] : memref<1x8xf32, #tpu.memory_space<vmem>>, vector<1x8xf32>
    %add3A = vector.broadcast %get3A_9 : vector<1x8xf32> to vector<256x8xf32>
    %add3A_10 = arith.addf %dot_general3A_6, %add3A : vector<256x8xf32>
    %mul3A = arith.constant 5.000000e-01 : f32
    %mul3A_11 = vector.broadcast %mul3A : f32 to vector<256x8xf32>
    %mul3A_12 = arith.mulf %mul3A_11, %add3A_10 : vector<256x8xf32>
    %mul3A_13 = arith.constant 0.707106769 : f32
    %mul3A_14 = vector.broadcast %mul3A_13 : f32 to vector<256x8xf32>
    %mul3A_15 = arith.mulf %add3A_10, %mul3A_14 : vector<256x8xf32>
    %erf3A = math.erf %mul3A_15 : vector<256x8xf32>
    %add3A_16 = arith.constant 1.000000e+00 : f32
    %add3A_17 = vector.broadcast %add3A_16 : f32 to vector<256x8xf32>
    %add3A_18 = arith.addf %add3A_17, %erf3A : vector<256x8xf32>
    %mul3A_19 = arith.mulf %mul3A_12, %add3A_18 : vector<256x8xf32>
    %get3A_20 = arith.constant 0 : index
    %get3A_21 = arith.constant 0 : index
    %get3A_22 = vector.load %arg10[%get3A_20, %get3A_21] : memref<8x8192xf32, #tpu.memory_space<vmem>>, vector<8x8192xf32>
    %get3A_23 = arith.constant 0 : index
    %get3A_24 = arith.constant 0 : index
    %get3A_25 = vector.load %arg11[%get3A_23, %get3A_24] : memref<8192x8xf32, #tpu.memory_space<vmem>>, vector<8192x8xf32>
    %dot_general3A_26 = arith.constant dense<0.000000e+00> : vector<8x8xf32>
    %dot_general3A_27 = tpu.matmul %get3A_22, %get3A_25, %dot_general3A_26 {dimension_numbers = #tpu.dot_dimension_numbers<[1], [0], [0], [1], [0, 0, 1, 1], [], []>, transpose_lhs_hint = false} : vector<8x8192xf32>, vector<8192x8xf32>, vector<8x8xf32> -> vector<8x8xf32>
    %get3A_28 = arith.constant 0 : index
    %get3A_29 = arith.constant 0 : index
    %get3A_30 = vector.load %arg10[%get3A_28, %get3A_29] : memref<8x8192xf32, #tpu.memory_space<vmem>>, vector<8x8192xf32>
    %get3A_31 = arith.constant 0 : index
    %get3A_32 = arith.constant 0 : index
    %get3A_33 = vector.load %arg12[%get3A_31, %get3A_32] : memref<8192x8xf32, #tpu.memory_space<vmem>>, vector<8192x8xf32>
    %dot_general3A_34 = arith.constant dense<0.000000e+00> : vector<8x8xf32>
    %dot_general3A_35 = tpu.matmul %get3A_30, %get3A_33, %dot_general3A_34 {dimension_numbers = #tpu.dot_dimension_numbers<[1], [0], [0], [1], [0, 0, 1, 1], [], []>, transpose_lhs_hint = false} : vector<8x8192xf32>, vector<8192x8xf32>, vector<8x8xf32> -> vector<8x8xf32>
    %slice3A = vector.extract_strided_slice %mul3A_19 {offsets = [0, 0], sizes = [256, 1], strides = [1, 1]} : vector<256x8xf32> to vector<256x1xf32>
    %slice3A_36 = vector.extract_strided_slice %dot_general3A_27 {offsets = [0, 0], sizes = [1, 1], strides = [1, 1]} : vector<8x8xf32> to vector<1x1xf32>
    %mul3A_37 = vector.broadcast %slice3A_36 : vector<1x1xf32> to vector<256x1xf32>
    %mul3A_38 = arith.mulf %slice3A, %mul3A_37 : vector<256x1xf32>
    %slice3A_39 = vector.extract_strided_slice %mul3A_19 {offsets = [0, 1], sizes = [256, 1], strides = [1, 1]} : vector<256x8xf32> to vector<256x1xf32>
    %slice3A_40 = vector.extract_strided_slice %dot_general3A_27 {offsets = [0, 1], sizes = [1, 1], strides = [1, 1]} : vector<8x8xf32> to vector<1x1xf32>
    %mul3A_41 = vector.broadcast %slice3A_40 : vector<1x1xf32> to vector<256x1xf32>
    %mul3A_42 = arith.mulf %slice3A_39, %mul3A_41 : vector<256x1xf32>
    %add3A_43 = arith.addf %mul3A_38, %mul3A_42 : vector<256x1xf32>
    %slice3A_44 = vector.extract_strided_slice %dot_general3A_35 {offsets = [0, 0], sizes = [1, 1], strides = [1, 1]} : vector<8x8xf32> to vector<1x1xf32>
    %get3A_45 = arith.constant 0 : index
    %get3A_46 = arith.constant 0 : index
    %get3A_47 = vector.load %arg13[%get3A_45, %get3A_46] : memref<1x8xf32, #tpu.memory_space<vmem>>, vector<1x1xf32>
    %add3A_48 = arith.addf %slice3A_44, %get3A_47 : vector<1x1xf32>
    %add3A_49 = vector.broadcast %add3A_48 : vector<1x1xf32> to vector<256x1xf32>
    %add3A_50 = arith.addf %add3A_43, %add3A_49 : vector<256x1xf32>
    %slice3A_51 = vector.extract_strided_slice %mul3A_19 {offsets = [0, 2], sizes = [256, 1], strides = [1, 1]} : vector<256x8xf32> to vector<256x1xf32>
    %slice3A_52 = vector.extract_strided_slice %dot_general3A_27 {offsets = [1, 2], sizes = [1, 1], strides = [1, 1]} : vector<8x8xf32> to vector<1x1xf32>
    %mul3A_53 = vector.broadcast %slice3A_52 : vector<1x1xf32> to vector<256x1xf32>
    %mul3A_54 = arith.mulf %slice3A_51, %mul3A_53 : vector<256x1xf32>
    %slice3A_55 = vector.extract_strided_slice %mul3A_19 {offsets = [0, 3], sizes = [256, 1], strides = [1, 1]} : vector<256x8xf32> to vector<256x1xf32>
    %slice3A_56 = vector.extract_strided_slice %dot_general3A_27 {offsets = [1, 3], sizes = [1, 1], strides = [1, 1]} : vector<8x8xf32> to vector<1x1xf32>
    %mul3A_57 = vector.broadcast %slice3A_56 : vector<1x1xf32> to vector<256x1xf32>
    %mul3A_58 = arith.mulf %slice3A_55, %mul3A_57 : vector<256x1xf32>
    %add3A_59 = arith.addf %mul3A_54, %mul3A_58 : vector<256x1xf32>
    %slice3A_60 = vector.extract_strided_slice %dot_general3A_35 {offsets = [1, 1], sizes = [1, 1], strides = [1, 1]} : vector<8x8xf32> to vector<1x1xf32>
    %get3A_61 = arith.constant 0 : index
    %get3A_62 = arith.constant 1 : index
    %get3A_63 = vector.load %arg13[%get3A_61, %get3A_62] : memref<1x8xf32, #tpu.memory_space<vmem>>, vector<1x1xf32>
    %add3A_64 = arith.addf %slice3A_60, %get3A_63 : vector<1x1xf32>
    %add3A_65 = vector.broadcast %add3A_64 : vector<1x1xf32> to vector<256x1xf32>
    %add3A_66 = arith.addf %add3A_59, %add3A_65 : vector<256x1xf32>
    %slice3A_67 = vector.extract_strided_slice %mul3A_19 {offsets = [0, 4], sizes = [256, 1], strides = [1, 1]} : vector<256x8xf32> to vector<256x1xf32>
    %slice3A_68 = vector.extract_strided_slice %dot_general3A_27 {offsets = [2, 4], sizes = [1, 1], strides = [1, 1]} : vector<8x8xf32> to vector<1x1xf32>
    %mul3A_69 = vector.broadcast %slice3A_68 : vector<1x1xf32> to vector<256x1xf32>
    %mul3A_70 = arith.mulf %slice3A_67, %mul3A_69 : vector<256x1xf32>
    %slice3A_71 = vector.extract_strided_slice %mul3A_19 {offsets = [0, 5], sizes = [256, 1], strides = [1, 1]} : vector<256x8xf32> to vector<256x1xf32>
    %slice3A_72 = vector.extract_strided_slice %dot_general3A_27 {offsets = [2, 5], sizes = [1, 1], strides = [1, 1]} : vector<8x8xf32> to vector<1x1xf32>
    %mul3A_73 = vector.broadcast %slice3A_72 : vector<1x1xf32> to vector<256x1xf32>
    %mul3A_74 = arith.mulf %slice3A_71, %mul3A_73 : vector<256x1xf32>
    %add3A_75 = arith.addf %mul3A_70, %mul3A_74 : vector<256x1xf32>
    %slice3A_76 = vector.extract_strided_slice %dot_general3A_35 {offsets = [2, 2], sizes = [1, 1], strides = [1, 1]} : vector<8x8xf32> to vector<1x1xf32>
    %get3A_77 = arith.constant 0 : index
    %get3A_78 = arith.constant 2 : index
    %get3A_79 = vector.load %arg13[%get3A_77, %get3A_78] : memref<1x8xf32, #tpu.memory_space<vmem>>, vector<1x1xf32>
    %add3A_80 = arith.addf %slice3A_76, %get3A_79 : vector<1x1xf32>
    %add3A_81 = vector.broadcast %add3A_80 : vector<1x1xf32> to vector<256x1xf32>
    %add3A_82 = arith.addf %add3A_75, %add3A_81 : vector<256x1xf32>
    %broadcast_in_dim3A = arith.constant 0.000000e+00 : f32
    %broadcast_in_dim3A_83 = vector.broadcast %broadcast_in_dim3A : f32 to vector<256x5xf32>
    %concatenate3A = tpu.concatenate %add3A_50, %add3A_66, %add3A_82, %broadcast_in_dim3A_83 in 1 : vector<256x1xf32>, vector<256x1xf32>, vector<256x1xf32>, vector<256x5xf32> -> vector<256x8xf32>
    %swap3A = arith.constant 0 : index
    %swap3A_84 = arith.constant 0 : index
    %swap3A_85 = vector.load %arg14[%swap3A, %swap3A_84] : memref<256x8xf32, #tpu.memory_space<vmem>>, vector<256x8xf32>
    tpu.vector_store %arg14[%swap3A, %swap3A_84], %concatenate3A {strides = array<i32>} : memref<256x8xf32, #tpu.memory_space<vmem>>, vector<256x8xf32>,
    %get3A_86 = arith.constant 0 : index
    %get3A_87 = arith.constant 0 : index
    %get3A_88 = vector.load %arg2[%get3A_86, %get3A_87] : memref<1x4096xf32, #tpu.memory_space<vmem>>, vector<1x4096xf32>
    %get3A_89 = arith.constant 0 : index
    %get3A_90 = arith.constant 0 : index
    %get3A_91 = vector.load %arg4[%get3A_89, %get3A_90] : memref<1x4096xi32, #tpu.memory_space<vmem>>, vector<1x4096xi32>
    %bitcast_convert_type3A = tpu.bitcast %get3A_88 : vector<1x4096xf32> -> vector<1x4096xi32>
    %eq3A = arith.constant 0 : i32
    %eq3A_92 = arith.cmpi eq, %arg0, %eq3A : i32
    %convert_element_type3A_93 = arith.extui %eq3A_92 : i1 to i32
    %cond3A = arith.constant 0 : i32
    %cond3A_94 = arith.cmpi ne, %convert_element_type3A_93, %cond3A : i32
    scf.if %cond3A_94 {
      %iota3A_476 = tpu.iota {dimensions = array<i32: 0>} : vector<33x128xi32>
      %mul3A_477 = arith.constant 128 : i32
      %mul3A_478 = vector.broadcast %mul3A_477 : i32 to vector<33x128xi32>
      %mul3A_479 = arith.muli %iota3A_476, %mul3A_478 : vector<33x128xi32>
      %iota3A_480 = tpu.iota {dimensions = array<i32: 1>} : vector<33x128xi32>
      %add3A_481 = arith.addi %mul3A_479, %iota3A_480 : vector<33x128xi32>
      %iota3A_482 = tpu.iota {dimensions = array<i32: 0>} : vector<16x1xi32>
      %and3A_483 = arith.constant 7 : i32
      %and3A_484 = vector.broadcast %and3A_483 : i32 to vector<16x1xi32>
      %and3A_485 = arith.andi %iota3A_482, %and3A_484 : vector<16x1xi32>
      %eq3A_486 = vector.broadcast %get3A_91 : vector<1x4096xi32> to vector<16x4096xi32>
      %eq3A_487 = vector.broadcast %and3A_485 : vector<16x1xi32> to vector<16x4096xi32>
      %eq3A_488 = arith.cmpi eq, %eq3A_486, %eq3A_487 : vector<16x4096xi32>
      %broadcast_in_dim3A_489 = arith.constant 0 : i32
      %broadcast_in_dim3A_490 = vector.broadcast %broadcast_in_dim3A_489 : i32 to vector<16x1xi32>
      %eq3A_491 = arith.constant 0 : i32
      %eq3A_492 = vector.broadcast %eq3A_491 : i32 to vector<1x4096xi32>
      %eq3A_493 = arith.cmpi eq, %get3A_91, %eq3A_492 : vector<1x4096xi32>
      %convert_element_type3A_494 = arith.extui %eq3A_493 : vector<1x4096xi1> to vector<1x4096xi32>
      %convert_element_type3A_495 = arith.sitofp %convert_element_type3A_494 : vector<1x4096xi32> to vector<1x4096xf32>
      %reduce_sum3A_496 = vector.shape_cast %convert_element_type3A_495 : vector<1x4096xf32> to vector<1x1x4096xf32>
      %reduce_sum3A_497 = arith.constant dense<0.000000e+00> : vector<1xf32>
      %reduce_sum3A_498 = vector.multi_reduction <add>, %reduce_sum3A_496, %reduce_sum3A_497 [1, 2] : vector<1x1x4096xf32> to vector<1xf32>
      %reduce_sum3A_499 = vector.shape_cast %reduce_sum3A_498 : vector<1xf32> to vector<1x1x1xf32>
      %reduce_sum3A_500 = vector.extract %reduce_sum3A_499[0, 0, 0] : f32 from vector<1x1x1xf32>
      %convert_element_type3A_501 = arith.fptosi %reduce_sum3A_500 : f32 to i32
      %eq3A_502 = vector.broadcast %convert_element_type3A_501 : i32 to vector<33x128xi32>
      %eq3A_503 = arith.cmpi eq, %add3A_481, %eq3A_502 : vector<33x128xi32>
      %get3A_504 = arith.constant 0 : index
      %get3A_505 = arith.constant 0 : index
      %get3A_506 = vector.load %arg5[%get3A_504, %get3A_505] : memref<33x128xi32, #tpu.memory_space<vmem>>, vector<33x128xi32>
      %jit3A = arith.constant 0 : i32
      %broadcast_in_dim3A_507 = vector.broadcast %jit3A : i32 to vector<33x128xi32>
      %select_n3A_508 = arith.select %eq3A_503, %get3A_506, %broadcast_in_dim3A_507 : vector<33x128xi1>, vector<33x128xi32>
      %convert_element_type3A_509 = arith.sitofp %select_n3A_508 : vector<33x128xi32> to vector<33x128xf32>
      %reduce_sum3A_510 = vector.shape_cast %convert_element_type3A_509 : vector<33x128xf32> to vector<1x33x128xf32>
      %reduce_sum3A_511 = arith.constant dense<0.000000e+00> : vector<1xf32>
      %reduce_sum3A_512 = vector.multi_reduction <add>, %reduce_sum3A_510, %reduce_sum3A_511 [1, 2] : vector<1x33x128xf32> to vector<1xf32>
      %reduce_sum3A_513 = vector.shape_cast %reduce_sum3A_512 : vector<1xf32> to vector<1x1x1xf32>
      %reduce_sum3A_514 = vector.extract %reduce_sum3A_513[0, 0, 0] : f32 from vector<1x1x1xf32>
      %convert_element_type3A_515 = arith.fptosi %reduce_sum3A_514 : f32 to i32
      %eq3A_516 = vector.broadcast %convert_element_type3A_501 : i32 to vector<33x128xi32>
      %eq3A_517 = arith.cmpi eq, %add3A_481, %eq3A_516 : vector<33x128xi32>
      %get3A_518 = arith.constant 0 : index
      %get3A_519 = arith.constant 0 : index
      %get3A_520 = vector.load %arg6[%get3A_518, %get3A_519] : memref<33x128xi32, #tpu.memory_space<vmem>>, vector<33x128xi32>
      %jit3A_521 = arith.constant 0 : i32
      %broadcast_in_dim3A_522 = vector.broadcast %jit3A_521 : i32 to vector<33x128xi32>
      %select_n3A_523 = arith.select %eq3A_517, %get3A_520, %broadcast_in_dim3A_522 : vector<33x128xi1>, vector<33x128xi32>
      %convert_element_type3A_524 = arith.sitofp %select_n3A_523 : vector<33x128xi32> to vector<33x128xf32>
      %reduce_sum3A_525 = vector.shape_cast %convert_element_type3A_524 : vector<33x128xf32> to vector<1x33x128xf32>
      %reduce_sum3A_526 = arith.constant dense<0.000000e+00> : vector<1xf32>
      %reduce_sum3A_527 = vector.multi_reduction <add>, %reduce_sum3A_525, %reduce_sum3A_526 [1, 2] : vector<1x33x128xf32> to vector<1xf32>
      %reduce_sum3A_528 = vector.shape_cast %reduce_sum3A_527 : vector<1xf32> to vector<1x1x1xf32>
      %reduce_sum3A_529 = vector.extract %reduce_sum3A_528[0, 0, 0] : f32 from vector<1x1x1xf32>
      %convert_element_type3A_530 = arith.fptosi %reduce_sum3A_529 : f32 to i32
      %eq3A_531 = arith.constant 0 : i32
      %eq3A_532 = vector.broadcast %eq3A_531 : i32 to vector<16x1xi32>
      %eq3A_533 = arith.cmpi eq, %iota3A_482, %eq3A_532 : vector<16x1xi32>
      %broadcast_in_dim3A_534 = vector.broadcast %convert_element_type3A_515 : i32 to vector<16x1xi32>
      %select_n3A_535 = arith.select %eq3A_533, %broadcast_in_dim3A_534, %broadcast_in_dim3A_490 : vector<16x1xi1>, vector<16x1xi32>
      %eq3A_536 = arith.constant 8 : i32
      %eq3A_537 = vector.broadcast %eq3A_536 : i32 to vector<16x1xi32>
      %eq3A_538 = arith.cmpi eq, %iota3A_482, %eq3A_537 : vector<16x1xi32>
      %broadcast_in_dim3A_539 = vector.broadcast %convert_element_type3A_530 : i32 to vector<16x1xi32>
      %select_n3A_540 = arith.select %eq3A_538, %broadcast_in_dim3A_539, %select_n3A_535 : vector<16x1xi1>, vector<16x1xi32>
      %eq3A_541 = arith.constant 1 : i32
      %eq3A_542 = vector.broadcast %eq3A_541 : i32 to vector<1x4096xi32>
      %eq3A_543 = arith.cmpi eq, %get3A_91, %eq3A_542 : vector<1x4096xi32>
      %convert_element_type3A_544 = arith.extui %eq3A_543 : vector<1x4096xi1> to vector<1x4096xi32>
      %convert_element_type3A_545 = arith.sitofp %convert_element_type3A_544 : vector<1x4096xi32> to vector<1x4096xf32>
      %reduce_sum3A_546 = vector.shape_cast %convert_element_type3A_545 : vector<1x4096xf32> to vector<1x1x4096xf32>
      %reduce_sum3A_547 = arith.constant dense<0.000000e+00> : vector<1xf32>
      %reduce_sum3A_548 = vector.multi_reduction <add>, %reduce_sum3A_546, %reduce_sum3A_547 [1, 2] : vector<1x1x4096xf32> to vector<1xf32>
      %reduce_sum3A_549 = vector.shape_cast %reduce_sum3A_548 : vector<1xf32> to vector<1x1x1xf32>
      %reduce_sum3A_550 = vector.extract %reduce_sum3A_549[0, 0, 0] : f32 from vector<1x1x1xf32>
      %convert_element_type3A_551 = arith.fptosi %reduce_sum3A_550 : f32 to i32
      %eq3A_552 = vector.broadcast %convert_element_type3A_551 : i32 to vector<33x128xi32>
      %eq3A_553 = arith.cmpi eq, %add3A_481, %eq3A_552 : vector<33x128xi32>
      %get3A_554 = arith.constant 0 : index
      %get3A_555 = arith.constant 0 : index
      %get3A_556 = vector.load %arg5[%get3A_554, %get3A_555] : memref<33x128xi32, #tpu.memory_space<vmem>>, vector<33x128xi32>
      %jit3A_557 = arith.constant 0 : i32
      %broadcast_in_dim3A_558 = vector.broadcast %jit3A_557 : i32 to vector<33x128xi32>
      %select_n3A_559 = arith.select %eq3A_553, %get3A_556, %broadcast_in_dim3A_558 : vector<33x128xi1>, vector<33x128xi32>
      %convert_element_type3A_560 = arith.sitofp %select_n3A_559 : vector<33x128xi32> to vector<33x128xf32>
      %reduce_sum3A_561 = vector.shape_cast %convert_element_type3A_560 : vector<33x128xf32> to vector<1x33x128xf32>
      %reduce_sum3A_562 = arith.constant dense<0.000000e+00> : vector<1xf32>
      %reduce_sum3A_563 = vector.multi_reduction <add>, %reduce_sum3A_561, %reduce_sum3A_562 [1, 2] : vector<1x33x128xf32> to vector<1xf32>
      %reduce_sum3A_564 = vector.shape_cast %reduce_sum3A_563 : vector<1xf32> to vector<1x1x1xf32>
      %reduce_sum3A_565 = vector.extract %reduce_sum3A_564[0, 0, 0] : f32 from vector<1x1x1xf32>
      %convert_element_type3A_566 = arith.fptosi %reduce_sum3A_565 : f32 to i32
      %eq3A_567 = vector.broadcast %convert_element_type3A_551 : i32 to vector<33x128xi32>
      %eq3A_568 = arith.cmpi eq, %add3A_481, %eq3A_567 : vector<33x128xi32>
      %get3A_569 = arith.constant 0 : index
      %get3A_570 = arith.constant 0 : index
      %get3A_571 = vector.load %arg6[%get3A_569, %get3A_570] : memref<33x128xi32, #tpu.memory_space<vmem>>, vector<33x128xi32>
      %jit3A_572 = arith.constant 0 : i32
      %broadcast_in_dim3A_573 = vector.broadcast %jit3A_572 : i32 to vector<33x128xi32>
      %select_n3A_574 = arith.select %eq3A_568, %get3A_571, %broadcast_in_dim3A_573 : vector<33x128xi1>, vector<33x128xi32>
      %convert_element_type3A_575 = arith.sitofp %select_n3A_574 : vector<33x128xi32> to vector<33x128xf32>
      %reduce_sum3A_576 = vector.shape_cast %convert_element_type3A_575 : vector<33x128xf32> to vector<1x33x128xf32>
      %reduce_sum3A_577 = arith.constant dense<0.000000e+00> : vector<1xf32>
      %reduce_sum3A_578 = vector.multi_reduction <add>, %reduce_sum3A_576, %reduce_sum3A_577 [1, 2] : vector<1x33x128xf32> to vector<1xf32>
      %reduce_sum3A_579 = vector.shape_cast %reduce_sum3A_578 : vector<1xf32> to vector<1x1x1xf32>
      %reduce_sum3A_580 = vector.extract %reduce_sum3A_579[0, 0, 0] : f32 from vector<1x1x1xf32>
      %convert_element_type3A_581 = arith.fptosi %reduce_sum3A_580 : f32 to i32
      %eq3A_582 = arith.constant 1 : i32
      %eq3A_583 = vector.broadcast %eq3A_582 : i32 to vector<16x1xi32>
      %eq3A_584 = arith.cmpi eq, %iota3A_482, %eq3A_583 : vector<16x1xi32>
      %broadcast_in_dim3A_585 = vector.broadcast %convert_element_type3A_566 : i32 to vector<16x1xi32>
      %select_n3A_586 = arith.select %eq3A_584, %broadcast_in_dim3A_585, %select_n3A_540 : vector<16x1xi1>, vector<16x1xi32>
      %eq3A_587 = arith.constant 9 : i32
      %eq3A_588 = vector.broadcast %eq3A_587 : i32 to vector<16x1xi32>
      %eq3A_589 = arith.cmpi eq, %iota3A_482, %eq3A_588 : vector<16x1xi32>
      %broadcast_in_dim3A_590 = vector.broadcast %convert_element_type3A_581 : i32 to vector<16x1xi32>
      %select_n3A_591 = arith.select %eq3A_589, %broadcast_in_dim3A_590, %select_n3A_586 : vector<16x1xi1>, vector<16x1xi32>
      %eq3A_592 = arith.constant 2 : i32
      %eq3A_593 = vector.broadcast %eq3A_592 : i32 to vector<1x4096xi32>
      %eq3A_594 = arith.cmpi eq, %get3A_91, %eq3A_593 : vector<1x4096xi32>
      %convert_element_type3A_595 = arith.extui %eq3A_594 : vector<1x4096xi1> to vector<1x4096xi32>
      %convert_element_type3A_596 = arith.sitofp %convert_element_type3A_595 : vector<1x4096xi32> to vector<1x4096xf32>
      %reduce_sum3A_597 = vector.shape_cast %convert_element_type3A_596 : vector<1x4096xf32> to vector<1x1x4096xf32>
      %reduce_sum3A_598 = arith.constant dense<0.000000e+00> : vector<1xf32>
      %reduce_sum3A_599 = vector.multi_reduction <add>, %reduce_sum3A_597, %reduce_sum3A_598 [1, 2] : vector<1x1x4096xf32> to vector<1xf32>
      %reduce_sum3A_600 = vector.shape_cast %reduce_sum3A_599 : vector<1xf32> to vector<1x1x1xf32>
      %reduce_sum3A_601 = vector.extract %reduce_sum3A_600[0, 0, 0] : f32 from vector<1x1x1xf32>
      %convert_element_type3A_602 = arith.fptosi %reduce_sum3A_601 : f32 to i32
      %eq3A_603 = vector.broadcast %convert_element_type3A_602 : i32 to vector<33x128xi32>
      %eq3A_604 = arith.cmpi eq, %add3A_481, %eq3A_603 : vector<33x128xi32>
      %get3A_605 = arith.constant 0 : index
      %get3A_606 = arith.constant 0 : index
      %get3A_607 = vector.load %arg5[%get3A_605, %get3A_606] : memref<33x128xi32, #tpu.memory_space<vmem>>, vector<33x128xi32>
      %jit3A_608 = arith.constant 0 : i32
      %broadcast_in_dim3A_609 = vector.broadcast %jit3A_608 : i32 to vector<33x128xi32>
      %select_n3A_610 = arith.select %eq3A_604, %get3A_607, %broadcast_in_dim3A_609 : vector<33x128xi1>, vector<33x128xi32>
      %convert_element_type3A_611 = arith.sitofp %select_n3A_610 : vector<33x128xi32> to vector<33x128xf32>
      %reduce_sum3A_612 = vector.shape_cast %convert_element_type3A_611 : vector<33x128xf32> to vector<1x33x128xf32>
      %reduce_sum3A_613 = arith.constant dense<0.000000e+00> : vector<1xf32>
      %reduce_sum3A_614 = vector.multi_reduction <add>, %reduce_sum3A_612, %reduce_sum3A_613 [1, 2] : vector<1x33x128xf32> to vector<1xf32>
      %reduce_sum3A_615 = vector.shape_cast %reduce_sum3A_614 : vector<1xf32> to vector<1x1x1xf32>
      %reduce_sum3A_616 = vector.extract %reduce_sum3A_615[0, 0, 0] : f32 from vector<1x1x1xf32>
      %convert_element_type3A_617 = arith.fptosi %reduce_sum3A_616 : f32 to i32
      %eq3A_618 = vector.broadcast %convert_element_type3A_602 : i32 to vector<33x128xi32>
      %eq3A_619 = arith.cmpi eq, %add3A_481, %eq3A_618 : vector<33x128xi32>
      %get3A_620 = arith.constant 0 : index
      %get3A_621 = arith.constant 0 : index
      %get3A_622 = vector.load %arg6[%get3A_620, %get3A_621] : memref<33x128xi32, #tpu.memory_space<vmem>>, vector<33x128xi32>
      %jit3A_623 = arith.constant 0 : i32
      %broadcast_in_dim3A_624 = vector.broadcast %jit3A_623 : i32 to vector<33x128xi32>
      %select_n3A_625 = arith.select %eq3A_619, %get3A_622, %broadcast_in_dim3A_624 : vector<33x128xi1>, vector<33x128xi32>
      %convert_element_type3A_626 = arith.sitofp %select_n3A_625 : vector<33x128xi32> to vector<33x128xf32>
      %reduce_sum3A_627 = vector.shape_cast %convert_element_type3A_626 : vector<33x128xf32> to vector<1x33x128xf32>
      %reduce_sum3A_628 = arith.constant dense<0.000000e+00> : vector<1xf32>
      %reduce_sum3A_629 = vector.multi_reduction <add>, %reduce_sum3A_627, %reduce_sum3A_628 [1, 2] : vector<1x33x128xf32> to vector<1xf32>
      %reduce_sum3A_630 = vector.shape_cast %reduce_sum3A_629 : vector<1xf32> to vector<1x1x1xf32>
      %reduce_sum3A_631 = vector.extract %reduce_sum3A_630[0, 0, 0] : f32 from vector<1x1x1xf32>
      %convert_element_type3A_632 = arith.fptosi %reduce_sum3A_631 : f32 to i32
      %eq3A_633 = arith.constant 2 : i32
      %eq3A_634 = vector.broadcast %eq3A_633 : i32 to vector<16x1xi32>
      %eq3A_635 = arith.cmpi eq, %iota3A_482, %eq3A_634 : vector<16x1xi32>
      %broadcast_in_dim3A_636 = vector.broadcast %convert_element_type3A_617 : i32 to vector<16x1xi32>
      %select_n3A_637 = arith.select %eq3A_635, %broadcast_in_dim3A_636, %select_n3A_591 : vector<16x1xi1>, vector<16x1xi32>
      %eq3A_638 = arith.constant 10 : i32
      %eq3A_639 = vector.broadcast %eq3A_638 : i32 to vector<16x1xi32>
      %eq3A_640 = arith.cmpi eq, %iota3A_482, %eq3A_639 : vector<16x1xi32>
      %broadcast_in_dim3A_641 = vector.broadcast %convert_element_type3A_632 : i32 to vector<16x1xi32>
      %select_n3A_642 = arith.select %eq3A_640, %broadcast_in_dim3A_641, %select_n3A_637 : vector<16x1xi1>, vector<16x1xi32>
      %eq3A_643 = arith.constant 3 : i32
      %eq3A_644 = vector.broadcast %eq3A_643 : i32 to vector<1x4096xi32>
      %eq3A_645 = arith.cmpi eq, %get3A_91, %eq3A_644 : vector<1x4096xi32>
      %convert_element_type3A_646 = arith.extui %eq3A_645 : vector<1x4096xi1> to vector<1x4096xi32>
      %convert_element_type3A_647 = arith.sitofp %convert_element_type3A_646 : vector<1x4096xi32> to vector<1x4096xf32>
      %reduce_sum3A_648 = vector.shape_cast %convert_element_type3A_647 : vector<1x4096xf32> to vector<1x1x4096xf32>
      %reduce_sum3A_649 = arith.constant dense<0.000000e+00> : vector<1xf32>
      %reduce_sum3A_650 = vector.multi_reduction <add>, %reduce_sum3A_648, %reduce_sum3A_649 [1, 2] : vector<1x1x4096xf32> to vector<1xf32>
      %reduce_sum3A_651 = vector.shape_cast %reduce_sum3A_650 : vector<1xf32> to vector<1x1x1xf32>
      %reduce_sum3A_652 = vector.extract %reduce_sum3A_651[0, 0, 0] : f32 from vector<1x1x1xf32>
      %convert_element_type3A_653 = arith.fptosi %reduce_sum3A_652 : f32 to i32
      %eq3A_654 = vector.broadcast %convert_element_type3A_653 : i32 to vector<33x128xi32>
      %eq3A_655 = arith.cmpi eq, %add3A_481, %eq3A_654 : vector<33x128xi32>
      %get3A_656 = arith.constant 0 : index
      %get3A_657 = arith.constant 0 : index
      %get3A_658 = vector.load %arg5[%get3A_656, %get3A_657] : memref<33x128xi32, #tpu.memory_space<vmem>>, vector<33x128xi32>
      %jit3A_659 = arith.constant 0 : i32
      %broadcast_in_dim3A_660 = vector.broadcast %jit3A_659 : i32 to vector<33x128xi32>
      %select_n3A_661 = arith.select %eq3A_655, %get3A_658, %broadcast_in_dim3A_660 : vector<33x128xi1>, vector<33x128xi32>
      %convert_element_type3A_662 = arith.sitofp %select_n3A_661 : vector<33x128xi32> to vector<33x128xf32>
      %reduce_sum3A_663 = vector.shape_cast %convert_element_type3A_662 : vector<33x128xf32> to vector<1x33x128xf32>
      %reduce_sum3A_664 = arith.constant dense<0.000000e+00> : vector<1xf32>
      %reduce_sum3A_665 = vector.multi_reduction <add>, %reduce_sum3A_663, %reduce_sum3A_664 [1, 2] : vector<1x33x128xf32> to vector<1xf32>
      %reduce_sum3A_666 = vector.shape_cast %reduce_sum3A_665 : vector<1xf32> to vector<1x1x1xf32>
      %reduce_sum3A_667 = vector.extract %reduce_sum3A_666[0, 0, 0] : f32 from vector<1x1x1xf32>
      %convert_element_type3A_668 = arith.fptosi %reduce_sum3A_667 : f32 to i32
      %eq3A_669 = vector.broadcast %convert_element_type3A_653 : i32 to vector<33x128xi32>
      %eq3A_670 = arith.cmpi eq, %add3A_481, %eq3A_669 : vector<33x128xi32>
      %get3A_671 = arith.constant 0 : index
      %get3A_672 = arith.constant 0 : index
      %get3A_673 = vector.load %arg6[%get3A_671, %get3A_672] : memref<33x128xi32, #tpu.memory_space<vmem>>, vector<33x128xi32>
      %jit3A_674 = arith.constant 0 : i32
      %broadcast_in_dim3A_675 = vector.broadcast %jit3A_674 : i32 to vector<33x128xi32>
      %select_n3A_676 = arith.select %eq3A_670, %get3A_673, %broadcast_in_dim3A_675 : vector<33x128xi1>, vector<33x128xi32>
      %convert_element_type3A_677 = arith.sitofp %select_n3A_676 : vector<33x128xi32> to vector<33x128xf32>
      %reduce_sum3A_678 = vector.shape_cast %convert_element_type3A_677 : vector<33x128xf32> to vector<1x33x128xf32>
      %reduce_sum3A_679 = arith.constant dense<0.000000e+00> : vector<1xf32>
      %reduce_sum3A_680 = vector.multi_reduction <add>, %reduce_sum3A_678, %reduce_sum3A_679 [1, 2] : vector<1x33x128xf32> to vector<1xf32>
      %reduce_sum3A_681 = vector.shape_cast %reduce_sum3A_680 : vector<1xf32> to vector<1x1x1xf32>
      %reduce_sum3A_682 = vector.extract %reduce_sum3A_681[0, 0, 0] : f32 from vector<1x1x1xf32>
      %convert_element_type3A_683 = arith.fptosi %reduce_sum3A_682 : f32 to i32
      %eq3A_684 = arith.constant 3 : i32
      %eq3A_685 = vector.broadcast %eq3A_684 : i32 to vector<16x1xi32>
      %eq3A_686 = arith.cmpi eq, %iota3A_482, %eq3A_685 : vector<16x1xi32>
      %broadcast_in_dim3A_687 = vector.broadcast %convert_element_type3A_668 : i32 to vector<16x1xi32>
      %select_n3A_688 = arith.select %eq3A_686, %broadcast_in_dim3A_687, %select_n3A_642 : vector<16x1xi1>, vector<16x1xi32>
      %eq3A_689 = arith.constant 11 : i32
      %eq3A_690 = vector.broadcast %eq3A_689 : i32 to vector<16x1xi32>
      %eq3A_691 = arith.cmpi eq, %iota3A_482, %eq3A_690 : vector<16x1xi32>
      %broadcast_in_dim3A_692 = vector.broadcast %convert_element_type3A_683 : i32 to vector<16x1xi32>
      %select_n3A_693 = arith.select %eq3A_691, %broadcast_in_dim3A_692, %select_n3A_688 : vector<16x1xi1>, vector<16x1xi32>
      %eq3A_694 = arith.constant 4 : i32
      %eq3A_695 = vector.broadcast %eq3A_694 : i32 to vector<1x4096xi32>
      %eq3A_696 = arith.cmpi eq, %get3A_91, %eq3A_695 : vector<1x4096xi32>
      %convert_element_type3A_697 = arith.extui %eq3A_696 : vector<1x4096xi1> to vector<1x4096xi32>
      %convert_element_type3A_698 = arith.sitofp %convert_element_type3A_697 : vector<1x4096xi32> to vector<1x4096xf32>
      %reduce_sum3A_699 = vector.shape_cast %convert_element_type3A_698 : vector<1x4096xf32> to vector<1x1x4096xf32>
      %reduce_sum3A_700 = arith.constant dense<0.000000e+00> : vector<1xf32>
      %reduce_sum3A_701 = vector.multi_reduction <add>, %reduce_sum3A_699, %reduce_sum3A_700 [1, 2] : vector<1x1x4096xf32> to vector<1xf32>
      %reduce_sum3A_702 = vector.shape_cast %reduce_sum3A_701 : vector<1xf32> to vector<1x1x1xf32>
      %reduce_sum3A_703 = vector.extract %reduce_sum3A_702[0, 0, 0] : f32 from vector<1x1x1xf32>
      %convert_element_type3A_704 = arith.fptosi %reduce_sum3A_703 : f32 to i32
      %eq3A_705 = vector.broadcast %convert_element_type3A_704 : i32 to vector<33x128xi32>
      %eq3A_706 = arith.cmpi eq, %add3A_481, %eq3A_705 : vector<33x128xi32>
      %get3A_707 = arith.constant 0 : index
      %get3A_708 = arith.constant 0 : index
      %get3A_709 = vector.load %arg5[%get3A_707, %get3A_708] : memref<33x128xi32, #tpu.memory_space<vmem>>, vector<33x128xi32>
      %jit3A_710 = arith.constant 0 : i32
      %broadcast_in_dim3A_711 = vector.broadcast %jit3A_710 : i32 to vector<33x128xi32>
      %select_n3A_712 = arith.select %eq3A_706, %get3A_709, %broadcast_in_dim3A_711 : vector<33x128xi1>, vector<33x128xi32>
      %convert_element_type3A_713 = arith.sitofp %select_n3A_712 : vector<33x128xi32> to vector<33x128xf32>
      %reduce_sum3A_714 = vector.shape_cast %convert_element_type3A_713 : vector<33x128xf32> to vector<1x33x128xf32>
      %reduce_sum3A_715 = arith.constant dense<0.000000e+00> : vector<1xf32>
      %reduce_sum3A_716 = vector.multi_reduction <add>, %reduce_sum3A_714, %reduce_sum3A_715 [1, 2] : vector<1x33x128xf32> to vector<1xf32>
      %reduce_sum3A_717 = vector.shape_cast %reduce_sum3A_716 : vector<1xf32> to vector<1x1x1xf32>
      %reduce_sum3A_718 = vector.extract %reduce_sum3A_717[0, 0, 0] : f32 from vector<1x1x1xf32>
      %convert_element_type3A_719 = arith.fptosi %reduce_sum3A_718 : f32 to i32
      %eq3A_720 = vector.broadcast %convert_element_type3A_704 : i32 to vector<33x128xi32>
      %eq3A_721 = arith.cmpi eq, %add3A_481, %eq3A_720 : vector<33x128xi32>
      %get3A_722 = arith.constant 0 : index
      %get3A_723 = arith.constant 0 : index
      %get3A_724 = vector.load %arg6[%get3A_722, %get3A_723] : memref<33x128xi32, #tpu.memory_space<vmem>>, vector<33x128xi32>
      %jit3A_725 = arith.constant 0 : i32
      %broadcast_in_dim3A_726 = vector.broadcast %jit3A_725 : i32 to vector<33x128xi32>
      %select_n3A_727 = arith.select %eq3A_721, %get3A_724, %broadcast_in_dim3A_726 : vector<33x128xi1>, vector<33x128xi32>
      %convert_element_type3A_728 = arith.sitofp %select_n3A_727 : vector<33x128xi32> to vector<33x128xf32>
      %reduce_sum3A_729 = vector.shape_cast %convert_element_type3A_728 : vector<33x128xf32> to vector<1x33x128xf32>
      %reduce_sum3A_730 = arith.constant dense<0.000000e+00> : vector<1xf32>
      %reduce_sum3A_731 = vector.multi_reduction <add>, %reduce_sum3A_729, %reduce_sum3A_730 [1, 2] : vector<1x33x128xf32> to vector<1xf32>
      %reduce_sum3A_732 = vector.shape_cast %reduce_sum3A_731 : vector<1xf32> to vector<1x1x1xf32>
      %reduce_sum3A_733 = vector.extract %reduce_sum3A_732[0, 0, 0] : f32 from vector<1x1x1xf32>
      %convert_element_type3A_734 = arith.fptosi %reduce_sum3A_733 : f32 to i32
      %eq3A_735 = arith.constant 4 : i32
      %eq3A_736 = vector.broadcast %eq3A_735 : i32 to vector<16x1xi32>
      %eq3A_737 = arith.cmpi eq, %iota3A_482, %eq3A_736 : vector<16x1xi32>
      %broadcast_in_dim3A_738 = vector.broadcast %convert_element_type3A_719 : i32 to vector<16x1xi32>
      %select_n3A_739 = arith.select %eq3A_737, %broadcast_in_dim3A_738, %select_n3A_693 : vector<16x1xi1>, vector<16x1xi32>
      %eq3A_740 = arith.constant 12 : i32
      %eq3A_741 = vector.broadcast %eq3A_740 : i32 to vector<16x1xi32>
      %eq3A_742 = arith.cmpi eq, %iota3A_482, %eq3A_741 : vector<16x1xi32>
      %broadcast_in_dim3A_743 = vector.broadcast %convert_element_type3A_734 : i32 to vector<16x1xi32>
      %select_n3A_744 = arith.select %eq3A_742, %broadcast_in_dim3A_743, %select_n3A_739 : vector<16x1xi1>, vector<16x1xi32>
      %eq3A_745 = arith.constant 5 : i32
      %eq3A_746 = vector.broadcast %eq3A_745 : i32 to vector<1x4096xi32>
      %eq3A_747 = arith.cmpi eq, %get3A_91, %eq3A_746 : vector<1x4096xi32>
      %convert_element_type3A_748 = arith.extui %eq3A_747 : vector<1x4096xi1> to vector<1x4096xi32>
      %convert_element_type3A_749 = arith.sitofp %convert_element_type3A_748 : vector<1x4096xi32> to vector<1x4096xf32>
      %reduce_sum3A_750 = vector.shape_cast %convert_element_type3A_749 : vector<1x4096xf32> to vector<1x1x4096xf32>
      %reduce_sum3A_751 = arith.constant dense<0.000000e+00> : vector<1xf32>
      %reduce_sum3A_752 = vector.multi_reduction <add>, %reduce_sum3A_750, %reduce_sum3A_751 [1, 2] : vector<1x1x4096xf32> to vector<1xf32>
      %reduce_sum3A_753 = vector.shape_cast %reduce_sum3A_752 : vector<1xf32> to vector<1x1x1xf32>
      %reduce_sum3A_754 = vector.extract %reduce_sum3A_753[0, 0, 0] : f32 from vector<1x1x1xf32>
      %convert_element_type3A_755 = arith.fptosi %reduce_sum3A_754 : f32 to i32
      %eq3A_756 = vector.broadcast %convert_element_type3A_755 : i32 to vector<33x128xi32>
      %eq3A_757 = arith.cmpi eq, %add3A_481, %eq3A_756 : vector<33x128xi32>
      %get3A_758 = arith.constant 0 : index
      %get3A_759 = arith.constant 0 : index
      %get3A_760 = vector.load %arg5[%get3A_758, %get3A_759] : memref<33x128xi32, #tpu.memory_space<vmem>>, vector<33x128xi32>
      %jit3A_761 = arith.constant 0 : i32
      %broadcast_in_dim3A_762 = vector.broadcast %jit3A_761 : i32 to vector<33x128xi32>
      %select_n3A_763 = arith.select %eq3A_757, %get3A_760, %broadcast_in_dim3A_762 : vector<33x128xi1>, vector<33x128xi32>
      %convert_element_type3A_764 = arith.sitofp %select_n3A_763 : vector<33x128xi32> to vector<33x128xf32>
      %reduce_sum3A_765 = vector.shape_cast %convert_element_type3A_764 : vector<33x128xf32> to vector<1x33x128xf32>
      %reduce_sum3A_766 = arith.constant dense<0.000000e+00> : vector<1xf32>
      %reduce_sum3A_767 = vector.multi_reduction <add>, %reduce_sum3A_765, %reduce_sum3A_766 [1, 2] : vector<1x33x128xf32> to vector<1xf32>
      %reduce_sum3A_768 = vector.shape_cast %reduce_sum3A_767 : vector<1xf32> to vector<1x1x1xf32>
      %reduce_sum3A_769 = vector.extract %reduce_sum3A_768[0, 0, 0] : f32 from vector<1x1x1xf32>
      %convert_element_type3A_770 = arith.fptosi %reduce_sum3A_769 : f32 to i32
      %eq3A_771 = vector.broadcast %convert_element_type3A_755 : i32 to vector<33x128xi32>
      %eq3A_772 = arith.cmpi eq, %add3A_481, %eq3A_771 : vector<33x128xi32>
      %get3A_773 = arith.constant 0 : index
      %get3A_774 = arith.constant 0 : index
      %get3A_775 = vector.load %arg6[%get3A_773, %get3A_774] : memref<33x128xi32, #tpu.memory_space<vmem>>, vector<33x128xi32>
      %jit3A_776 = arith.constant 0 : i32
      %broadcast_in_dim3A_777 = vector.broadcast %jit3A_776 : i32 to vector<33x128xi32>
      %select_n3A_778 = arith.select %eq3A_772, %get3A_775, %broadcast_in_dim3A_777 : vector<33x128xi1>, vector<33x128xi32>
      %convert_element_type3A_779 = arith.sitofp %select_n3A_778 : vector<33x128xi32> to vector<33x128xf32>
      %reduce_sum3A_780 = vector.shape_cast %convert_element_type3A_779 : vector<33x128xf32> to vector<1x33x128xf32>
      %reduce_sum3A_781 = arith.constant dense<0.000000e+00> : vector<1xf32>
      %reduce_sum3A_782 = vector.multi_reduction <add>, %reduce_sum3A_780, %reduce_sum3A_781 [1, 2] : vector<1x33x128xf32> to vector<1xf32>
      %reduce_sum3A_783 = vector.shape_cast %reduce_sum3A_782 : vector<1xf32> to vector<1x1x1xf32>
      %reduce_sum3A_784 = vector.extract %reduce_sum3A_783[0, 0, 0] : f32 from vector<1x1x1xf32>
      %convert_element_type3A_785 = arith.fptosi %reduce_sum3A_784 : f32 to i32
      %eq3A_786 = arith.constant 5 : i32
      %eq3A_787 = vector.broadcast %eq3A_786 : i32 to vector<16x1xi32>
      %eq3A_788 = arith.cmpi eq, %iota3A_482, %eq3A_787 : vector<16x1xi32>
      %broadcast_in_dim3A_789 = vector.broadcast %convert_element_type3A_770 : i32 to vector<16x1xi32>
      %select_n3A_790 = arith.select %eq3A_788, %broadcast_in_dim3A_789, %select_n3A_744 : vector<16x1xi1>, vector<16x1xi32>
      %eq3A_791 = arith.constant 13 : i32
      %eq3A_792 = vector.broadcast %eq3A_791 : i32 to vector<16x1xi32>
      %eq3A_793 = arith.cmpi eq, %iota3A_482, %eq3A_792 : vector<16x1xi32>
      %broadcast_in_dim3A_794 = vector.broadcast %convert_element_type3A_785 : i32 to vector<16x1xi32>
      %select_n3A_795 = arith.select %eq3A_793, %broadcast_in_dim3A_794, %select_n3A_790 : vector<16x1xi1>, vector<16x1xi32>
      %eq3A_796 = arith.constant 6 : i32
      %eq3A_797 = vector.broadcast %eq3A_796 : i32 to vector<1x4096xi32>
      %eq3A_798 = arith.cmpi eq, %get3A_91, %eq3A_797 : vector<1x4096xi32>
      %convert_element_type3A_799 = arith.extui %eq3A_798 : vector<1x4096xi1> to vector<1x4096xi32>
      %convert_element_type3A_800 = arith.sitofp %convert_element_type3A_799 : vector<1x4096xi32> to vector<1x4096xf32>
      %reduce_sum3A_801 = vector.shape_cast %convert_element_type3A_800 : vector<1x4096xf32> to vector<1x1x4096xf32>
      %reduce_sum3A_802 = arith.constant dense<0.000000e+00> : vector<1xf32>
      %reduce_sum3A_803 = vector.multi_reduction <add>, %reduce_sum3A_801, %reduce_sum3A_802 [1, 2] : vector<1x1x4096xf32> to vector<1xf32>
      %reduce_sum3A_804 = vector.shape_cast %reduce_sum3A_803 : vector<1xf32> to vector<1x1x1xf32>
      %reduce_sum3A_805 = vector.extract %reduce_sum3A_804[0, 0, 0] : f32 from vector<1x1x1xf32>
      %convert_element_type3A_806 = arith.fptosi %reduce_sum3A_805 : f32 to i32
      %eq3A_807 = vector.broadcast %convert_element_type3A_806 : i32 to vector<33x128xi32>
      %eq3A_808 = arith.cmpi eq, %add3A_481, %eq3A_807 : vector<33x128xi32>
      %get3A_809 = arith.constant 0 : index
      %get3A_810 = arith.constant 0 : index
      %get3A_811 = vector.load %arg5[%get3A_809, %get3A_810] : memref<33x128xi32, #tpu.memory_space<vmem>>, vector<33x128xi32>
      %jit3A_812 = arith.constant 0 : i32
      %broadcast_in_dim3A_813 = vector.broadcast %jit3A_812 : i32 to vector<33x128xi32>
      %select_n3A_814 = arith.select %eq3A_808, %get3A_811, %broadcast_in_dim3A_813 : vector<33x128xi1>, vector<33x128xi32>
      %convert_element_type3A_815 = arith.sitofp %select_n3A_814 : vector<33x128xi32> to vector<33x128xf32>
      %reduce_sum3A_816 = vector.shape_cast %convert_element_type3A_815 : vector<33x128xf32> to vector<1x33x128xf32>
      %reduce_sum3A_817 = arith.constant dense<0.000000e+00> : vector<1xf32>
      %reduce_sum3A_818 = vector.multi_reduction <add>, %reduce_sum3A_816, %reduce_sum3A_817 [1, 2] : vector<1x33x128xf32> to vector<1xf32>
      %reduce_sum3A_819 = vector.shape_cast %reduce_sum3A_818 : vector<1xf32> to vector<1x1x1xf32>
      %reduce_sum3A_820 = vector.extract %reduce_sum3A_819[0, 0, 0] : f32 from vector<1x1x1xf32>
      %convert_element_type3A_821 = arith.fptosi %reduce_sum3A_820 : f32 to i32
      %eq3A_822 = vector.broadcast %convert_element_type3A_806 : i32 to vector<33x128xi32>
      %eq3A_823 = arith.cmpi eq, %add3A_481, %eq3A_822 : vector<33x128xi32>
      %get3A_824 = arith.constant 0 : index
      %get3A_825 = arith.constant 0 : index
      %get3A_826 = vector.load %arg6[%get3A_824, %get3A_825] : memref<33x128xi32, #tpu.memory_space<vmem>>, vector<33x128xi32>
      %jit3A_827 = arith.constant 0 : i32
      %broadcast_in_dim3A_828 = vector.broadcast %jit3A_827 : i32 to vector<33x128xi32>
      %select_n3A_829 = arith.select %eq3A_823, %get3A_826, %broadcast_in_dim3A_828 : vector<33x128xi1>, vector<33x128xi32>
      %convert_element_type3A_830 = arith.sitofp %select_n3A_829 : vector<33x128xi32> to vector<33x128xf32>
      %reduce_sum3A_831 = vector.shape_cast %convert_element_type3A_830 : vector<33x128xf32> to vector<1x33x128xf32>
      %reduce_sum3A_832 = arith.constant dense<0.000000e+00> : vector<1xf32>
      %reduce_sum3A_833 = vector.multi_reduction <add>, %reduce_sum3A_831, %reduce_sum3A_832 [1, 2] : vector<1x33x128xf32> to vector<1xf32>
      %reduce_sum3A_834 = vector.shape_cast %reduce_sum3A_833 : vector<1xf32> to vector<1x1x1xf32>
      %reduce_sum3A_835 = vector.extract %reduce_sum3A_834[0, 0, 0] : f32 from vector<1x1x1xf32>
      %convert_element_type3A_836 = arith.fptosi %reduce_sum3A_835 : f32 to i32
      %eq3A_837 = arith.constant 6 : i32
      %eq3A_838 = vector.broadcast %eq3A_837 : i32 to vector<16x1xi32>
      %eq3A_839 = arith.cmpi eq, %iota3A_482, %eq3A_838 : vector<16x1xi32>
      %broadcast_in_dim3A_840 = vector.broadcast %convert_element_type3A_821 : i32 to vector<16x1xi32>
      %select_n3A_841 = arith.select %eq3A_839, %broadcast_in_dim3A_840, %select_n3A_795 : vector<16x1xi1>, vector<16x1xi32>
      %eq3A_842 = arith.constant 14 : i32
      %eq3A_843 = vector.broadcast %eq3A_842 : i32 to vector<16x1xi32>
      %eq3A_844 = arith.cmpi eq, %iota3A_482, %eq3A_843 : vector<16x1xi32>
      %broadcast_in_dim3A_845 = vector.broadcast %convert_element_type3A_836 : i32 to vector<16x1xi32>
      %select_n3A_846 = arith.select %eq3A_844, %broadcast_in_dim3A_845, %select_n3A_841 : vector<16x1xi1>, vector<16x1xi32>
      %eq3A_847 = arith.constant 7 : i32
      %eq3A_848 = vector.broadcast %eq3A_847 : i32 to vector<1x4096xi32>
      %eq3A_849 = arith.cmpi eq, %get3A_91, %eq3A_848 : vector<1x4096xi32>
      %convert_element_type3A_850 = arith.extui %eq3A_849 : vector<1x4096xi1> to vector<1x4096xi32>
      %convert_element_type3A_851 = arith.sitofp %convert_element_type3A_850 : vector<1x4096xi32> to vector<1x4096xf32>
      %reduce_sum3A_852 = vector.shape_cast %convert_element_type3A_851 : vector<1x4096xf32> to vector<1x1x4096xf32>
      %reduce_sum3A_853 = arith.constant dense<0.000000e+00> : vector<1xf32>
      %reduce_sum3A_854 = vector.multi_reduction <add>, %reduce_sum3A_852, %reduce_sum3A_853 [1, 2] : vector<1x1x4096xf32> to vector<1xf32>
      %reduce_sum3A_855 = vector.shape_cast %reduce_sum3A_854 : vector<1xf32> to vector<1x1x1xf32>
      %reduce_sum3A_856 = vector.extract %reduce_sum3A_855[0, 0, 0] : f32 from vector<1x1x1xf32>
      %convert_element_type3A_857 = arith.fptosi %reduce_sum3A_856 : f32 to i32
      %eq3A_858 = vector.broadcast %convert_element_type3A_857 : i32 to vector<33x128xi32>
      %eq3A_859 = arith.cmpi eq, %add3A_481, %eq3A_858 : vector<33x128xi32>
      %get3A_860 = arith.constant 0 : index
      %get3A_861 = arith.constant 0 : index
      %get3A_862 = vector.load %arg5[%get3A_860, %get3A_861] : memref<33x128xi32, #tpu.memory_space<vmem>>, vector<33x128xi32>
      %jit3A_863 = arith.constant 0 : i32
      %broadcast_in_dim3A_864 = vector.broadcast %jit3A_863 : i32 to vector<33x128xi32>
      %select_n3A_865 = arith.select %eq3A_859, %get3A_862, %broadcast_in_dim3A_864 : vector<33x128xi1>, vector<33x128xi32>
      %convert_element_type3A_866 = arith.sitofp %select_n3A_865 : vector<33x128xi32> to vector<33x128xf32>
      %reduce_sum3A_867 = vector.shape_cast %convert_element_type3A_866 : vector<33x128xf32> to vector<1x33x128xf32>
      %reduce_sum3A_868 = arith.constant dense<0.000000e+00> : vector<1xf32>
      %reduce_sum3A_869 = vector.multi_reduction <add>, %reduce_sum3A_867, %reduce_sum3A_868 [1, 2] : vector<1x33x128xf32> to vector<1xf32>
      %reduce_sum3A_870 = vector.shape_cast %reduce_sum3A_869 : vector<1xf32> to vector<1x1x1xf32>
      %reduce_sum3A_871 = vector.extract %reduce_sum3A_870[0, 0, 0] : f32 from vector<1x1x1xf32>
      %convert_element_type3A_872 = arith.fptosi %reduce_sum3A_871 : f32 to i32
      %eq3A_873 = vector.broadcast %convert_element_type3A_857 : i32 to vector<33x128xi32>
      %eq3A_874 = arith.cmpi eq, %add3A_481, %eq3A_873 : vector<33x128xi32>
      %get3A_875 = arith.constant 0 : index
      %get3A_876 = arith.constant 0 : index
      %get3A_877 = vector.load %arg6[%get3A_875, %get3A_876] : memref<33x128xi32, #tpu.memory_space<vmem>>, vector<33x128xi32>
      %jit3A_878 = arith.constant 0 : i32
      %broadcast_in_dim3A_879 = vector.broadcast %jit3A_878 : i32 to vector<33x128xi32>
      %select_n3A_880 = arith.select %eq3A_874, %get3A_877, %broadcast_in_dim3A_879 : vector<33x128xi1>, vector<33x128xi32>
      %convert_element_type3A_881 = arith.sitofp %select_n3A_880 : vector<33x128xi32> to vector<33x128xf32>
      %reduce_sum3A_882 = vector.shape_cast %convert_element_type3A_881 : vector<33x128xf32> to vector<1x33x128xf32>
      %reduce_sum3A_883 = arith.constant dense<0.000000e+00> : vector<1xf32>
      %reduce_sum3A_884 = vector.multi_reduction <add>, %reduce_sum3A_882, %reduce_sum3A_883 [1, 2] : vector<1x33x128xf32> to vector<1xf32>
      %reduce_sum3A_885 = vector.shape_cast %reduce_sum3A_884 : vector<1xf32> to vector<1x1x1xf32>
      %reduce_sum3A_886 = vector.extract %reduce_sum3A_885[0, 0, 0] : f32 from vector<1x1x1xf32>
      %convert_element_type3A_887 = arith.fptosi %reduce_sum3A_886 : f32 to i32
      %eq3A_888 = arith.constant 7 : i32
      %eq3A_889 = vector.broadcast %eq3A_888 : i32 to vector<16x1xi32>
      %eq3A_890 = arith.cmpi eq, %iota3A_482, %eq3A_889 : vector<16x1xi32>
      %broadcast_in_dim3A_891 = vector.broadcast %convert_element_type3A_872 : i32 to vector<16x1xi32>
      %select_n3A_892 = arith.select %eq3A_890, %broadcast_in_dim3A_891, %select_n3A_846 : vector<16x1xi1>, vector<16x1xi32>
      %eq3A_893 = arith.constant 15 : i32
      %eq3A_894 = vector.broadcast %eq3A_893 : i32 to vector<16x1xi32>
      %eq3A_895 = arith.cmpi eq, %iota3A_482, %eq3A_894 : vector<16x1xi32>
      %broadcast_in_dim3A_896 = vector.broadcast %convert_element_type3A_887 : i32 to vector<16x1xi32>
      %select_n3A_897 = arith.select %eq3A_895, %broadcast_in_dim3A_896, %select_n3A_892 : vector<16x1xi1>, vector<16x1xi32>
      %broadcast_in_dim3A_898 = arith.constant 0 : i32
      %broadcast_in_dim3A_899 = vector.broadcast %broadcast_in_dim3A_898 : i32 to vector<16x1xi32>
      %broadcast_in_dim3A_900 = arith.constant 1073741824 : i32
      %broadcast_in_dim3A_901 = vector.broadcast %broadcast_in_dim3A_900 : i32 to vector<16x1xi32>
      %scan3A = arith.constant 0 : i32
      %scan3A_902 = arith.constant 31 : i32
      %scan3A_903 = arith.addi %scan3A, %scan3A_902 : i32
      %scan3A_904 = arith.constant 1 : i32
      %scan3A_905:2 = scf.for %scan3A_919 = %scan3A to %scan3A_903 step %scan3A_904 iter_args(%scan3A_920 = %broadcast_in_dim3A_899, %scan3A_921 = %broadcast_in_dim3A_901) -> (vector<16x1xi32>, vector<16x1xi32>)  : i32 {
        %sub3A = arith.subi %scan3A_921, %scan3A_920 : vector<16x1xi32>
        %shift_right_arithmetic3A = arith.constant 1 : i32
        %shift_right_arithmetic3A_922 = vector.broadcast %shift_right_arithmetic3A : i32 to vector<16x1xi32>
        %shift_right_arithmetic3A_923 = arith.shrsi %sub3A, %shift_right_arithmetic3A_922 : vector<16x1xi32>
        %add3A_924 = arith.addi %scan3A_920, %shift_right_arithmetic3A_923 : vector<16x1xi32>
        %le3A_925 = vector.broadcast %bitcast_convert_type3A : vector<1x4096xi32> to vector<16x4096xi32>
        %le3A_926 = vector.broadcast %add3A_924 : vector<16x1xi32> to vector<16x4096xi32>
        %le3A_927 = arith.cmpi sle, %le3A_925, %le3A_926 : vector<16x4096xi32>
        %and3A_928 = arith.andi %eq3A_488, %le3A_927 : vector<16x4096xi1>
        %convert_element_type3A_929 = arith.extui %and3A_928 : vector<16x4096xi1> to vector<16x4096xi32>
        %convert_element_type3A_930 = arith.sitofp %convert_element_type3A_929 : vector<16x4096xi32> to vector<16x4096xf32>
        %reduce_sum3A_931 = arith.constant dense<0.000000e+00> : vector<16xf32>
        %reduce_sum3A_932 = vector.multi_reduction <add>, %convert_element_type3A_930, %reduce_sum3A_931 [1] : vector<16x4096xf32> to vector<16xf32>
        %broadcast_in_dim3A_933 = vector.shape_cast %reduce_sum3A_932 : vector<16xf32> to vector<16x1xf32>
        %convert_element_type3A_934 = arith.fptosi %broadcast_in_dim3A_933 : vector<16x1xf32> to vector<16x1xi32>
        %add3A_935 = arith.constant 1 : i32
        %add3A_936 = vector.broadcast %add3A_935 : i32 to vector<16x1xi32>
        %add3A_937 = arith.addi %select_n3A_897, %add3A_936 : vector<16x1xi32>
        %ge3A_938 = arith.cmpi sge, %convert_element_type3A_934, %add3A_937 : vector<16x1xi32>
        %add3A_939 = arith.constant 1 : i32
        %add3A_940 = vector.broadcast %add3A_939 : i32 to vector<16x1xi32>
        %add3A_941 = arith.addi %add3A_924, %add3A_940 : vector<16x1xi32>
        %select_n3A_942 = arith.select %ge3A_938, %scan3A_920, %add3A_941 : vector<16x1xi1>, vector<16x1xi32>
        %select_n3A_943 = arith.select %ge3A_938, %add3A_924, %scan3A_921 : vector<16x1xi1>, vector<16x1xi32>
        scf.yield %select_n3A_942, %select_n3A_943 : vector<16x1xi32>, vector<16x1xi32>
      }
      %swap3A_906 = arith.constant 0 : index
      %swap3A_907 = arith.constant 0 : index
      %swap3A_908 = vector.load %arg16[%swap3A_906, %swap3A_907] : memref<16x1xi32, #tpu.memory_space<vmem>>, vector<16x1xi32>
      tpu.vector_store %arg16[%swap3A_906, %swap3A_907], %scan3A_905#0 {strides = array<i32>} : memref<16x1xi32, #tpu.memory_space<vmem>>, vector<16x1xi32>,
      %broadcast_in_dim3A_909 = arith.constant 0 : i32
      %broadcast_in_dim3A_910 = vector.broadcast %broadcast_in_dim3A_909 : i32 to vector<1x8xi32>
      %swap3A_911 = arith.constant 0 : index
      %swap3A_912 = arith.constant 0 : index
      %swap3A_913 = vector.load %arg17[%swap3A_911, %swap3A_912] : memref<1x8xi32, #tpu.memory_space<vmem>>, vector<1x8xi32>
      tpu.vector_store %arg17[%swap3A_911, %swap3A_912], %broadcast_in_dim3A_910 {strides = array<i32>} : memref<1x8xi32, #tpu.memory_space<vmem>>, vector<1x8xi32>,
      %broadcast_in_dim3A_914 = arith.constant 0.000000e+00 : f32
      %broadcast_in_dim3A_915 = vector.broadcast %broadcast_in_dim3A_914 : f32 to vector<1x4096xf32>
      %swap3A_916 = arith.constant 0 : index
      %swap3A_917 = arith.constant 0 : index
      %swap3A_918 = vector.load %arg15[%swap3A_916, %swap3A_917] : memref<1x4096xf32, #tpu.memory_space<vmem>>, vector<1x4096xf32>
      tpu.vector_store %arg15[%swap3A_916, %swap3A_917], %broadcast_in_dim3A_915 {strides = array<i32>} : memref<1x4096xf32, #tpu.memory_space<vmem>>, vector<1x4096xf32>,
    } else {
    }
    %get3A_95 = arith.constant 0 : index
    %get3A_96 = arith.constant 0 : index
    %get3A_97 = vector.load %arg1[%get3A_95, %get3A_96] : memref<256x1xf32, #tpu.memory_space<vmem>>, vector<256x1xf32>
    %get3A_98 = arith.constant 0 : index
    %get3A_99 = arith.constant 0 : index
    %get3A_100 = vector.load %arg3[%get3A_98, %get3A_99] : memref<256x1xi32, #tpu.memory_space<vmem>>, vector<256x1xi32>
    %bitcast_convert_type3A_101 = tpu.bitcast %get3A_97 : vector<256x1xf32> -> vector<256x1xi32>
    %broadcast_in_dim3A_102 = arith.constant 0 : i32
    %broadcast_in_dim3A_103 = vector.broadcast %broadcast_in_dim3A_102 : i32 to vector<256x1xi32>
    %broadcast_in_dim3A_104 = arith.constant 0 : i32
    %broadcast_in_dim3A_105 = vector.broadcast %broadcast_in_dim3A_104 : i32 to vector<256x1xi32>
    %eq3A_106 = arith.constant 0 : i32
    %eq3A_107 = vector.broadcast %eq3A_106 : i32 to vector<256x1xi32>
    %eq3A_108 = arith.cmpi eq, %get3A_100, %eq3A_107 : vector<256x1xi32>
    %get3A_109 = arith.constant 0 : index
    %get3A_110 = arith.constant 0 : index
    %get3A_111 = vector.load %arg16[%get3A_109, %get3A_110] : memref<16x1xi32, #tpu.memory_space<vmem>>, vector<1x1xi32>
    %broadcast_in_dim3A_112 = vector.shape_cast %get3A_111 : vector<1x1xi32> to vector<1x1xi32>
    %broadcast_in_dim3A_113 = vector.broadcast %broadcast_in_dim3A_112 : vector<1x1xi32> to vector<256x1xi32>
    %select_n3A = arith.select %eq3A_108, %broadcast_in_dim3A_113, %broadcast_in_dim3A_103 : vector<256x1xi1>, vector<256x1xi32>
    %eq3A_114 = arith.constant 0 : i32
    %eq3A_115 = vector.broadcast %eq3A_114 : i32 to vector<256x1xi32>
    %eq3A_116 = arith.cmpi eq, %get3A_100, %eq3A_115 : vector<256x1xi32>
    %get3A_117 = arith.constant 8 : index
    %get3A_118 = arith.constant 0 : index
    %get3A_119 = vector.load %arg16[%get3A_117, %get3A_118] : memref<16x1xi32, #tpu.memory_space<vmem>>, vector<1x1xi32>
    %broadcast_in_dim3A_120 = vector.shape_cast %get3A_119 : vector<1x1xi32> to vector<1x1xi32>
    %broadcast_in_dim3A_121 = vector.broadcast %broadcast_in_dim3A_120 : vector<1x1xi32> to vector<256x1xi32>
    %select_n3A_122 = arith.select %eq3A_116, %broadcast_in_dim3A_121, %broadcast_in_dim3A_105 : vector<256x1xi1>, vector<256x1xi32>
    %eq3A_123 = arith.constant 1 : i32
    %eq3A_124 = vector.broadcast %eq3A_123 : i32 to vector<256x1xi32>
    %eq3A_125 = arith.cmpi eq, %get3A_100, %eq3A_124 : vector<256x1xi32>
    %get3A_126 = arith.constant 1 : index
    %get3A_127 = arith.constant 0 : index
    %get3A_128 = vector.load %arg16[%get3A_126, %get3A_127] : memref<16x1xi32, #tpu.memory_space<vmem>>, vector<1x1xi32>
    %broadcast_in_dim3A_129 = vector.shape_cast %get3A_128 : vector<1x1xi32> to vector<1x1xi32>
    %broadcast_in_dim3A_130 = vector.broadcast %broadcast_in_dim3A_129 : vector<1x1xi32> to vector<256x1xi32>
    %select_n3A_131 = arith.select %eq3A_125, %broadcast_in_dim3A_130, %select_n3A : vector<256x1xi1>, vector<256x1xi32>
    %eq3A_132 = arith.constant 1 : i32
    %eq3A_133 = vector.broadcast %eq3A_132 : i32 to vector<256x1xi32>
    %eq3A_134 = arith.cmpi eq, %get3A_100, %eq3A_133 : vector<256x1xi32>
    %get3A_135 = arith.constant 9 : index
    %get3A_136 = arith.constant 0 : index
    %get3A_137 = vector.load %arg16[%get3A_135, %get3A_136] : memref<16x1xi32, #tpu.memory_space<vmem>>, vector<1x1xi32>
    %broadcast_in_dim3A_138 = vector.shape_cast %get3A_137 : vector<1x1xi32> to vector<1x1xi32>
    %broadcast_in_dim3A_139 = vector.broadcast %broadcast_in_dim3A_138 : vector<1x1xi32> to vector<256x1xi32>
    %select_n3A_140 = arith.select %eq3A_134, %broadcast_in_dim3A_139, %select_n3A_122 : vector<256x1xi1>, vector<256x1xi32>
    %eq3A_141 = arith.constant 2 : i32
    %eq3A_142 = vector.broadcast %eq3A_141 : i32 to vector<256x1xi32>
    %eq3A_143 = arith.cmpi eq, %get3A_100, %eq3A_142 : vector<256x1xi32>
    %get3A_144 = arith.constant 2 : index
    %get3A_145 = arith.constant 0 : index
    %get3A_146 = vector.load %arg16[%get3A_144, %get3A_145] : memref<16x1xi32, #tpu.memory_space<vmem>>, vector<1x1xi32>
    %broadcast_in_dim3A_147 = vector.shape_cast %get3A_146 : vector<1x1xi32> to vector<1x1xi32>
    %broadcast_in_dim3A_148 = vector.broadcast %broadcast_in_dim3A_147 : vector<1x1xi32> to vector<256x1xi32>
    %select_n3A_149 = arith.select %eq3A_143, %broadcast_in_dim3A_148, %select_n3A_131 : vector<256x1xi1>, vector<256x1xi32>
    %eq3A_150 = arith.constant 2 : i32
    %eq3A_151 = vector.broadcast %eq3A_150 : i32 to vector<256x1xi32>
    %eq3A_152 = arith.cmpi eq, %get3A_100, %eq3A_151 : vector<256x1xi32>
    %get3A_153 = arith.constant 10 : index
    %get3A_154 = arith.constant 0 : index
    %get3A_155 = vector.load %arg16[%get3A_153, %get3A_154] : memref<16x1xi32, #tpu.memory_space<vmem>>, vector<1x1xi32>
    %broadcast_in_dim3A_156 = vector.shape_cast %get3A_155 : vector<1x1xi32> to vector<1x1xi32>
    %broadcast_in_dim3A_157 = vector.broadcast %broadcast_in_dim3A_156 : vector<1x1xi32> to vector<256x1xi32>
    %select_n3A_158 = arith.select %eq3A_152, %broadcast_in_dim3A_157, %select_n3A_140 : vector<256x1xi1>, vector<256x1xi32>
    %eq3A_159 = arith.constant 3 : i32
    %eq3A_160 = vector.broadcast %eq3A_159 : i32 to vector<256x1xi32>
    %eq3A_161 = arith.cmpi eq, %get3A_100, %eq3A_160 : vector<256x1xi32>
    %get3A_162 = arith.constant 3 : index
    %get3A_163 = arith.constant 0 : index
    %get3A_164 = vector.load %arg16[%get3A_162, %get3A_163] : memref<16x1xi32, #tpu.memory_space<vmem>>, vector<1x1xi32>
    %broadcast_in_dim3A_165 = vector.shape_cast %get3A_164 : vector<1x1xi32> to vector<1x1xi32>
    %broadcast_in_dim3A_166 = vector.broadcast %broadcast_in_dim3A_165 : vector<1x1xi32> to vector<256x1xi32>
    %select_n3A_167 = arith.select %eq3A_161, %broadcast_in_dim3A_166, %select_n3A_149 : vector<256x1xi1>, vector<256x1xi32>
    %eq3A_168 = arith.constant 3 : i32
    %eq3A_169 = vector.broadcast %eq3A_168 : i32 to vector<256x1xi32>
    %eq3A_170 = arith.cmpi eq, %get3A_100, %eq3A_169 : vector<256x1xi32>
    %get3A_171 = arith.constant 11 : index
    %get3A_172 = arith.constant 0 : index
    %get3A_173 = vector.load %arg16[%get3A_171, %get3A_172] : memref<16x1xi32, #tpu.memory_space<vmem>>, vector<1x1xi32>
    %broadcast_in_dim3A_174 = vector.shape_cast %get3A_173 : vector<1x1xi32> to vector<1x1xi32>
    %broadcast_in_dim3A_175 = vector.broadcast %broadcast_in_dim3A_174 : vector<1x1xi32> to vector<256x1xi32>
    %select_n3A_176 = arith.select %eq3A_170, %broadcast_in_dim3A_175, %select_n3A_158 : vector<256x1xi1>, vector<256x1xi32>
    %eq3A_177 = arith.constant 4 : i32
    %eq3A_178 = vector.broadcast %eq3A_177 : i32 to vector<256x1xi32>
    %eq3A_179 = arith.cmpi eq, %get3A_100, %eq3A_178 : vector<256x1xi32>
    %get3A_180 = arith.constant 4 : index
    %get3A_181 = arith.constant 0 : index
    %get3A_182 = vector.load %arg16[%get3A_180, %get3A_181] : memref<16x1xi32, #tpu.memory_space<vmem>>, vector<1x1xi32>
    %broadcast_in_dim3A_183 = vector.shape_cast %get3A_182 : vector<1x1xi32> to vector<1x1xi32>
    %broadcast_in_dim3A_184 = vector.broadcast %broadcast_in_dim3A_183 : vector<1x1xi32> to vector<256x1xi32>
    %select_n3A_185 = arith.select %eq3A_179, %broadcast_in_dim3A_184, %select_n3A_167 : vector<256x1xi1>, vector<256x1xi32>
    %eq3A_186 = arith.constant 4 : i32
    %eq3A_187 = vector.broadcast %eq3A_186 : i32 to vector<256x1xi32>
    %eq3A_188 = arith.cmpi eq, %get3A_100, %eq3A_187 : vector<256x1xi32>
    %get3A_189 = arith.constant 12 : index
    %get3A_190 = arith.constant 0 : index
    %get3A_191 = vector.load %arg16[%get3A_189, %get3A_190] : memref<16x1xi32, #tpu.memory_space<vmem>>, vector<1x1xi32>
    %broadcast_in_dim3A_192 = vector.shape_cast %get3A_191 : vector<1x1xi32> to vector<1x1xi32>
    %broadcast_in_dim3A_193 = vector.broadcast %broadcast_in_dim3A_192 : vector<1x1xi32> to vector<256x1xi32>
    %select_n3A_194 = arith.select %eq3A_188, %broadcast_in_dim3A_193, %select_n3A_176 : vector<256x1xi1>, vector<256x1xi32>
    %eq3A_195 = arith.constant 5 : i32
    %eq3A_196 = vector.broadcast %eq3A_195 : i32 to vector<256x1xi32>
    %eq3A_197 = arith.cmpi eq, %get3A_100, %eq3A_196 : vector<256x1xi32>
    %get3A_198 = arith.constant 5 : index
    %get3A_199 = arith.constant 0 : index
    %get3A_200 = vector.load %arg16[%get3A_198, %get3A_199] : memref<16x1xi32, #tpu.memory_space<vmem>>, vector<1x1xi32>
    %broadcast_in_dim3A_201 = vector.shape_cast %get3A_200 : vector<1x1xi32> to vector<1x1xi32>
    %broadcast_in_dim3A_202 = vector.broadcast %broadcast_in_dim3A_201 : vector<1x1xi32> to vector<256x1xi32>
    %select_n3A_203 = arith.select %eq3A_197, %broadcast_in_dim3A_202, %select_n3A_185 : vector<256x1xi1>, vector<256x1xi32>
    %eq3A_204 = arith.constant 5 : i32
    %eq3A_205 = vector.broadcast %eq3A_204 : i32 to vector<256x1xi32>
    %eq3A_206 = arith.cmpi eq, %get3A_100, %eq3A_205 : vector<256x1xi32>
    %get3A_207 = arith.constant 13 : index
    %get3A_208 = arith.constant 0 : index
    %get3A_209 = vector.load %arg16[%get3A_207, %get3A_208] : memref<16x1xi32, #tpu.memory_space<vmem>>, vector<1x1xi32>
    %broadcast_in_dim3A_210 = vector.shape_cast %get3A_209 : vector<1x1xi32> to vector<1x1xi32>
    %broadcast_in_dim3A_211 = vector.broadcast %broadcast_in_dim3A_210 : vector<1x1xi32> to vector<256x1xi32>
    %select_n3A_212 = arith.select %eq3A_206, %broadcast_in_dim3A_211, %select_n3A_194 : vector<256x1xi1>, vector<256x1xi32>
    %eq3A_213 = arith.constant 6 : i32
    %eq3A_214 = vector.broadcast %eq3A_213 : i32 to vector<256x1xi32>
    %eq3A_215 = arith.cmpi eq, %get3A_100, %eq3A_214 : vector<256x1xi32>
    %get3A_216 = arith.constant 6 : index
    %get3A_217 = arith.constant 0 : index
    %get3A_218 = vector.load %arg16[%get3A_216, %get3A_217] : memref<16x1xi32, #tpu.memory_space<vmem>>, vector<1x1xi32>
    %broadcast_in_dim3A_219 = vector.shape_cast %get3A_218 : vector<1x1xi32> to vector<1x1xi32>
    %broadcast_in_dim3A_220 = vector.broadcast %broadcast_in_dim3A_219 : vector<1x1xi32> to vector<256x1xi32>
    %select_n3A_221 = arith.select %eq3A_215, %broadcast_in_dim3A_220, %select_n3A_203 : vector<256x1xi1>, vector<256x1xi32>
    %eq3A_222 = arith.constant 6 : i32
    %eq3A_223 = vector.broadcast %eq3A_222 : i32 to vector<256x1xi32>
    %eq3A_224 = arith.cmpi eq, %get3A_100, %eq3A_223 : vector<256x1xi32>
    %get3A_225 = arith.constant 14 : index
    %get3A_226 = arith.constant 0 : index
    %get3A_227 = vector.load %arg16[%get3A_225, %get3A_226] : memref<16x1xi32, #tpu.memory_space<vmem>>, vector<1x1xi32>
    %broadcast_in_dim3A_228 = vector.shape_cast %get3A_227 : vector<1x1xi32> to vector<1x1xi32>
    %broadcast_in_dim3A_229 = vector.broadcast %broadcast_in_dim3A_228 : vector<1x1xi32> to vector<256x1xi32>
    %select_n3A_230 = arith.select %eq3A_224, %broadcast_in_dim3A_229, %select_n3A_212 : vector<256x1xi1>, vector<256x1xi32>
    %eq3A_231 = arith.constant 7 : i32
    %eq3A_232 = vector.broadcast %eq3A_231 : i32 to vector<256x1xi32>
    %eq3A_233 = arith.cmpi eq, %get3A_100, %eq3A_232 : vector<256x1xi32>
    %get3A_234 = arith.constant 7 : index
    %get3A_235 = arith.constant 0 : index
    %get3A_236 = vector.load %arg16[%get3A_234, %get3A_235] : memref<16x1xi32, #tpu.memory_space<vmem>>, vector<1x1xi32>
    %broadcast_in_dim3A_237 = vector.shape_cast %get3A_236 : vector<1x1xi32> to vector<1x1xi32>
    %broadcast_in_dim3A_238 = vector.broadcast %broadcast_in_dim3A_237 : vector<1x1xi32> to vector<256x1xi32>
    %select_n3A_239 = arith.select %eq3A_233, %broadcast_in_dim3A_238, %select_n3A_221 : vector<256x1xi1>, vector<256x1xi32>
    %eq3A_240 = arith.constant 7 : i32
    %eq3A_241 = vector.broadcast %eq3A_240 : i32 to vector<256x1xi32>
    %eq3A_242 = arith.cmpi eq, %get3A_100, %eq3A_241 : vector<256x1xi32>
    %get3A_243 = arith.constant 15 : index
    %get3A_244 = arith.constant 0 : index
    %get3A_245 = vector.load %arg16[%get3A_243, %get3A_244] : memref<16x1xi32, #tpu.memory_space<vmem>>, vector<1x1xi32>
    %broadcast_in_dim3A_246 = vector.shape_cast %get3A_245 : vector<1x1xi32> to vector<1x1xi32>
    %broadcast_in_dim3A_247 = vector.broadcast %broadcast_in_dim3A_246 : vector<1x1xi32> to vector<256x1xi32>
    %select_n3A_248 = arith.select %eq3A_242, %broadcast_in_dim3A_247, %select_n3A_230 : vector<256x1xi1>, vector<256x1xi32>
    %ge3A = arith.cmpi sge, %bitcast_convert_type3A_101, %select_n3A_239 : vector<256x1xi32>
    %le3A = arith.cmpi sle, %bitcast_convert_type3A_101, %select_n3A_248 : vector<256x1xi32>
    %convert_element_type3A_249 = arith.extui %ge3A : vector<256x1xi1> to vector<256x1xi32>
    %convert_element_type3A_250 = arith.extui %le3A : vector<256x1xi1> to vector<256x1xi32>
    %mul3A_251 = arith.constant 2 : i32
    %mul3A_252 = vector.broadcast %mul3A_251 : i32 to vector<256x1xi32>
    %mul3A_253 = arith.muli %mul3A_252, %convert_element_type3A_250 : vector<256x1xi32>
    %add3A_254 = arith.addi %convert_element_type3A_249, %mul3A_253 : vector<256x1xi32>
    %mul3A_255 = arith.constant 2 : i32
    %mul3A_256 = vector.broadcast %mul3A_255 : i32 to vector<256x1xi32>
    %mul3A_257 = arith.muli %mul3A_256, %get3A_100 : vector<256x1xi32>
    %shift_left3A = arith.shli %add3A_254, %mul3A_257 : vector<256x1xi32>
    %convert_element_type3A_258 = arith.sitofp %shift_left3A : vector<256x1xi32> to vector<256x1xf32>
    %mul3A_259 = arith.constant 256 : i32
    %mul3A_260 = arith.muli %arg0, %mul3A_259 : i32
    %get3A_261 = arith.constant 0 : index
    %get3A_262 = arith.index_cast %mul3A_260 : i32 to index
    %get3A_263 = vector.load %arg4[%get3A_261, %get3A_262] : memref<1x4096xi32, #tpu.memory_space<vmem>>, vector<1x256xi32>
    %eq3A_264 = vector.broadcast %get3A_263 : vector<1x256xi32> to vector<256x256xi32>
    %eq3A_265 = vector.broadcast %get3A_100 : vector<256x1xi32> to vector<256x256xi32>
    %eq3A_266 = arith.cmpi eq, %eq3A_264, %eq3A_265 : vector<256x256xi32>
    %iota3A = tpu.iota {dimensions = array<i32: 1>} : vector<256x256xi32>
    %iota3A_267 = tpu.iota {dimensions = array<i32: 0>} : vector<256x256xi32>
    %lt3A = arith.cmpi slt, %iota3A, %iota3A_267 : vector<256x256xi32>
    %and3A = arith.andi %eq3A_266, %lt3A : vector<256x256xi1>
    %convert_element_type3A_268 = arith.extui %and3A : vector<256x256xi1> to vector<256x256xi32>
    %convert_element_type3A_269 = arith.sitofp %convert_element_type3A_268 : vector<256x256xi32> to vector<256x256xf32>
    %reduce_sum3A = arith.constant dense<0.000000e+00> : vector<256xf32>
    %reduce_sum3A_270 = vector.multi_reduction <add>, %convert_element_type3A_269, %reduce_sum3A [1] : vector<256x256xf32> to vector<256xf32>
    %broadcast_in_dim3A_271 = vector.shape_cast %reduce_sum3A_270 : vector<256xf32> to vector<256x1xf32>
    %convert_element_type3A_272 = arith.fptosi %broadcast_in_dim3A_271 : vector<256x1xf32> to vector<256x1xi32>
    %get3A_273 = arith.constant 0 : index
    %get3A_274 = arith.constant 0 : index
    %get3A_275 = vector.load %arg17[%get3A_273, %get3A_274] : memref<1x8xi32, #tpu.memory_space<vmem>>, vector<1x8xi32>
    %broadcast_in_dim3A_276 = arith.constant 0 : i32
    %broadcast_in_dim3A_277 = vector.broadcast %broadcast_in_dim3A_276 : i32 to vector<256x1xi32>
    %eq3A_278 = arith.constant 0 : i32
    %eq3A_279 = vector.broadcast %eq3A_278 : i32 to vector<256x1xi32>
    %eq3A_280 = arith.cmpi eq, %get3A_100, %eq3A_279 : vector<256x1xi32>
    %slice3A_281 = vector.extract_strided_slice %get3A_275 {offsets = [0, 0], sizes = [1, 1], strides = [1, 1]} : vector<1x8xi32> to vector<1x1xi32>
    %broadcast_in_dim3A_282 = vector.shape_cast %slice3A_281 : vector<1x1xi32> to vector<1x1xi32>
    %broadcast_in_dim3A_283 = vector.broadcast %broadcast_in_dim3A_282 : vector<1x1xi32> to vector<256x1xi32>
    %select_n3A_284 = arith.select %eq3A_280, %broadcast_in_dim3A_283, %broadcast_in_dim3A_277 : vector<256x1xi1>, vector<256x1xi32>
    %eq3A_285 = arith.constant 0 : i32
    %eq3A_286 = vector.broadcast %eq3A_285 : i32 to vector<256x1xi32>
    %eq3A_287 = arith.cmpi eq, %get3A_100, %eq3A_286 : vector<256x1xi32>
    %convert_element_type3A_288 = arith.extui %eq3A_287 : vector<256x1xi1> to vector<256x1xi32>
    %convert_element_type3A_289 = arith.sitofp %convert_element_type3A_288 : vector<256x1xi32> to vector<256x1xf32>
    %reduce_sum3A_290 = vector.shape_cast %convert_element_type3A_289 : vector<256x1xf32> to vector<1x256x1xf32>
    %reduce_sum3A_291 = arith.constant dense<0.000000e+00> : vector<1xf32>
    %reduce_sum3A_292 = vector.multi_reduction <add>, %reduce_sum3A_290, %reduce_sum3A_291 [1, 2] : vector<1x256x1xf32> to vector<1xf32>
    %reduce_sum3A_293 = vector.shape_cast %reduce_sum3A_292 : vector<1xf32> to vector<1x1x1xf32>
    %reduce_sum3A_294 = vector.extract %reduce_sum3A_293[0, 0, 0] : f32 from vector<1x1x1xf32>
    %broadcast_in_dim3A_295 = vector.broadcast %reduce_sum3A_294 : f32 to vector<1x1xf32>
    %convert_element_type3A_296 = arith.fptosi %broadcast_in_dim3A_295 : vector<1x1xf32> to vector<1x1xi32>
    %eq3A_297 = arith.constant 1 : i32
    %eq3A_298 = vector.broadcast %eq3A_297 : i32 to vector<256x1xi32>
    %eq3A_299 = arith.cmpi eq, %get3A_100, %eq3A_298 : vector<256x1xi32>
    %slice3A_300 = vector.extract_strided_slice %get3A_275 {offsets = [0, 1], sizes = [1, 1], strides = [1, 1]} : vector<1x8xi32> to vector<1x1xi32>
    %broadcast_in_dim3A_301 = vector.shape_cast %slice3A_300 : vector<1x1xi32> to vector<1x1xi32>
    %broadcast_in_dim3A_302 = vector.broadcast %broadcast_in_dim3A_301 : vector<1x1xi32> to vector<256x1xi32>
    %select_n3A_303 = arith.select %eq3A_299, %broadcast_in_dim3A_302, %select_n3A_284 : vector<256x1xi1>, vector<256x1xi32>
    %eq3A_304 = arith.constant 1 : i32
    %eq3A_305 = vector.broadcast %eq3A_304 : i32 to vector<256x1xi32>
    %eq3A_306 = arith.cmpi eq, %get3A_100, %eq3A_305 : vector<256x1xi32>
    %convert_element_type3A_307 = arith.extui %eq3A_306 : vector<256x1xi1> to vector<256x1xi32>
    %convert_element_type3A_308 = arith.sitofp %convert_element_type3A_307 : vector<256x1xi32> to vector<256x1xf32>
    %reduce_sum3A_309 = vector.shape_cast %convert_element_type3A_308 : vector<256x1xf32> to vector<1x256x1xf32>
    %reduce_sum3A_310 = arith.constant dense<0.000000e+00> : vector<1xf32>
    %reduce_sum3A_311 = vector.multi_reduction <add>, %reduce_sum3A_309, %reduce_sum3A_310 [1, 2] : vector<1x256x1xf32> to vector<1xf32>
    %reduce_sum3A_312 = vector.shape_cast %reduce_sum3A_311 : vector<1xf32> to vector<1x1x1xf32>
    %reduce_sum3A_313 = vector.extract %reduce_sum3A_312[0, 0, 0] : f32 from vector<1x1x1xf32>
    %broadcast_in_dim3A_314 = vector.broadcast %reduce_sum3A_313 : f32 to vector<1x1xf32>
    %convert_element_type3A_315 = arith.fptosi %broadcast_in_dim3A_314 : vector<1x1xf32> to vector<1x1xi32>
    %eq3A_316 = arith.constant 2 : i32
    %eq3A_317 = vector.broadcast %eq3A_316 : i32 to vector<256x1xi32>
    %eq3A_318 = arith.cmpi eq, %get3A_100, %eq3A_317 : vector<256x1xi32>
    %slice3A_319 = vector.extract_strided_slice %get3A_275 {offsets = [0, 2], sizes = [1, 1], strides = [1, 1]} : vector<1x8xi32> to vector<1x1xi32>
    %broadcast_in_dim3A_320 = vector.shape_cast %slice3A_319 : vector<1x1xi32> to vector<1x1xi32>
    %broadcast_in_dim3A_321 = vector.broadcast %broadcast_in_dim3A_320 : vector<1x1xi32> to vector<256x1xi32>
    %select_n3A_322 = arith.select %eq3A_318, %broadcast_in_dim3A_321, %select_n3A_303 : vector<256x1xi1>, vector<256x1xi32>
    %eq3A_323 = arith.constant 2 : i32
    %eq3A_324 = vector.broadcast %eq3A_323 : i32 to vector<256x1xi32>
    %eq3A_325 = arith.cmpi eq, %get3A_100, %eq3A_324 : vector<256x1xi32>
    %convert_element_type3A_326 = arith.extui %eq3A_325 : vector<256x1xi1> to vector<256x1xi32>
    %convert_element_type3A_327 = arith.sitofp %convert_element_type3A_326 : vector<256x1xi32> to vector<256x1xf32>
    %reduce_sum3A_328 = vector.shape_cast %convert_element_type3A_327 : vector<256x1xf32> to vector<1x256x1xf32>
    %reduce_sum3A_329 = arith.constant dense<0.000000e+00> : vector<1xf32>
    %reduce_sum3A_330 = vector.multi_reduction <add>, %reduce_sum3A_328, %reduce_sum3A_329 [1, 2] : vector<1x256x1xf32> to vector<1xf32>
    %reduce_sum3A_331 = vector.shape_cast %reduce_sum3A_330 : vector<1xf32> to vector<1x1x1xf32>
    %reduce_sum3A_332 = vector.extract %reduce_sum3A_331[0, 0, 0] : f32 from vector<1x1x1xf32>
    %broadcast_in_dim3A_333 = vector.broadcast %reduce_sum3A_332 : f32 to vector<1x1xf32>
    %convert_element_type3A_334 = arith.fptosi %broadcast_in_dim3A_333 : vector<1x1xf32> to vector<1x1xi32>
    %eq3A_335 = arith.constant 3 : i32
    %eq3A_336 = vector.broadcast %eq3A_335 : i32 to vector<256x1xi32>
    %eq3A_337 = arith.cmpi eq, %get3A_100, %eq3A_336 : vector<256x1xi32>
    %slice3A_338 = vector.extract_strided_slice %get3A_275 {offsets = [0, 3], sizes = [1, 1], strides = [1, 1]} : vector<1x8xi32> to vector<1x1xi32>
    %broadcast_in_dim3A_339 = vector.shape_cast %slice3A_338 : vector<1x1xi32> to vector<1x1xi32>
    %broadcast_in_dim3A_340 = vector.broadcast %broadcast_in_dim3A_339 : vector<1x1xi32> to vector<256x1xi32>
    %select_n3A_341 = arith.select %eq3A_337, %broadcast_in_dim3A_340, %select_n3A_322 : vector<256x1xi1>, vector<256x1xi32>
    %eq3A_342 = arith.constant 3 : i32
    %eq3A_343 = vector.broadcast %eq3A_342 : i32 to vector<256x1xi32>
    %eq3A_344 = arith.cmpi eq, %get3A_100, %eq3A_343 : vector<256x1xi32>
    %convert_element_type3A_345 = arith.extui %eq3A_344 : vector<256x1xi1> to vector<256x1xi32>
    %convert_element_type3A_346 = arith.sitofp %convert_element_type3A_345 : vector<256x1xi32> to vector<256x1xf32>
    %reduce_sum3A_347 = vector.shape_cast %convert_element_type3A_346 : vector<256x1xf32> to vector<1x256x1xf32>
    %reduce_sum3A_348 = arith.constant dense<0.000000e+00> : vector<1xf32>
    %reduce_sum3A_349 = vector.multi_reduction <add>, %reduce_sum3A_347, %reduce_sum3A_348 [1, 2] : vector<1x256x1xf32> to vector<1xf32>
    %reduce_sum3A_350 = vector.shape_cast %reduce_sum3A_349 : vector<1xf32> to vector<1x1x1xf32>
    %reduce_sum3A_351 = vector.extract %reduce_sum3A_350[0, 0, 0] : f32 from vector<1x1x1xf32>
    %broadcast_in_dim3A_352 = vector.broadcast %reduce_sum3A_351 : f32 to vector<1x1xf32>
    %convert_element_type3A_353 = arith.fptosi %broadcast_in_dim3A_352 : vector<1x1xf32> to vector<1x1xi32>
    %eq3A_354 = arith.constant 4 : i32
    %eq3A_355 = vector.broadcast %eq3A_354 : i32 to vector<256x1xi32>
    %eq3A_356 = arith.cmpi eq, %get3A_100, %eq3A_355 : vector<256x1xi32>
    %slice3A_357 = vector.extract_strided_slice %get3A_275 {offsets = [0, 4], sizes = [1, 1], strides = [1, 1]} : vector<1x8xi32> to vector<1x1xi32>
    %broadcast_in_dim3A_358 = vector.shape_cast %slice3A_357 : vector<1x1xi32> to vector<1x1xi32>
    %broadcast_in_dim3A_359 = vector.broadcast %broadcast_in_dim3A_358 : vector<1x1xi32> to vector<256x1xi32>
    %select_n3A_360 = arith.select %eq3A_356, %broadcast_in_dim3A_359, %select_n3A_341 : vector<256x1xi1>, vector<256x1xi32>
    %eq3A_361 = arith.constant 4 : i32
    %eq3A_362 = vector.broadcast %eq3A_361 : i32 to vector<256x1xi32>
    %eq3A_363 = arith.cmpi eq, %get3A_100, %eq3A_362 : vector<256x1xi32>
    %convert_element_type3A_364 = arith.extui %eq3A_363 : vector<256x1xi1> to vector<256x1xi32>
    %convert_element_type3A_365 = arith.sitofp %convert_element_type3A_364 : vector<256x1xi32> to vector<256x1xf32>
    %reduce_sum3A_366 = vector.shape_cast %convert_element_type3A_365 : vector<256x1xf32> to vector<1x256x1xf32>
    %reduce_sum3A_367 = arith.constant dense<0.000000e+00> : vector<1xf32>
    %reduce_sum3A_368 = vector.multi_reduction <add>, %reduce_sum3A_366, %reduce_sum3A_367 [1, 2] : vector<1x256x1xf32> to vector<1xf32>
    %reduce_sum3A_369 = vector.shape_cast %reduce_sum3A_368 : vector<1xf32> to vector<1x1x1xf32>
    %reduce_sum3A_370 = vector.extract %reduce_sum3A_369[0, 0, 0] : f32 from vector<1x1x1xf32>
    %broadcast_in_dim3A_371 = vector.broadcast %reduce_sum3A_370 : f32 to vector<1x1xf32>
    %convert_element_type3A_372 = arith.fptosi %broadcast_in_dim3A_371 : vector<1x1xf32> to vector<1x1xi32>
    %eq3A_373 = arith.constant 5 : i32
    %eq3A_374 = vector.broadcast %eq3A_373 : i32 to vector<256x1xi32>
    %eq3A_375 = arith.cmpi eq, %get3A_100, %eq3A_374 : vector<256x1xi32>
    %slice3A_376 = vector.extract_strided_slice %get3A_275 {offsets = [0, 5], sizes = [1, 1], strides = [1, 1]} : vector<1x8xi32> to vector<1x1xi32>
    %broadcast_in_dim3A_377 = vector.shape_cast %slice3A_376 : vector<1x1xi32> to vector<1x1xi32>
    %broadcast_in_dim3A_378 = vector.broadcast %broadcast_in_dim3A_377 : vector<1x1xi32> to vector<256x1xi32>
    %select_n3A_379 = arith.select %eq3A_375, %broadcast_in_dim3A_378, %select_n3A_360 : vector<256x1xi1>, vector<256x1xi32>
    %eq3A_380 = arith.constant 5 : i32
    %eq3A_381 = vector.broadcast %eq3A_380 : i32 to vector<256x1xi32>
    %eq3A_382 = arith.cmpi eq, %get3A_100, %eq3A_381 : vector<256x1xi32>
    %convert_element_type3A_383 = arith.extui %eq3A_382 : vector<256x1xi1> to vector<256x1xi32>
    %convert_element_type3A_384 = arith.sitofp %convert_element_type3A_383 : vector<256x1xi32> to vector<256x1xf32>
    %reduce_sum3A_385 = vector.shape_cast %convert_element_type3A_384 : vector<256x1xf32> to vector<1x256x1xf32>
    %reduce_sum3A_386 = arith.constant dense<0.000000e+00> : vector<1xf32>
    %reduce_sum3A_387 = vector.multi_reduction <add>, %reduce_sum3A_385, %reduce_sum3A_386 [1, 2] : vector<1x256x1xf32> to vector<1xf32>
    %reduce_sum3A_388 = vector.shape_cast %reduce_sum3A_387 : vector<1xf32> to vector<1x1x1xf32>
    %reduce_sum3A_389 = vector.extract %reduce_sum3A_388[0, 0, 0] : f32 from vector<1x1x1xf32>
    %broadcast_in_dim3A_390 = vector.broadcast %reduce_sum3A_389 : f32 to vector<1x1xf32>
    %convert_element_type3A_391 = arith.fptosi %broadcast_in_dim3A_390 : vector<1x1xf32> to vector<1x1xi32>
    %eq3A_392 = arith.constant 6 : i32
    %eq3A_393 = vector.broadcast %eq3A_392 : i32 to vector<256x1xi32>
    %eq3A_394 = arith.cmpi eq, %get3A_100, %eq3A_393 : vector<256x1xi32>
    %slice3A_395 = vector.extract_strided_slice %get3A_275 {offsets = [0, 6], sizes = [1, 1], strides = [1, 1]} : vector<1x8xi32> to vector<1x1xi32>
    %broadcast_in_dim3A_396 = vector.shape_cast %slice3A_395 : vector<1x1xi32> to vector<1x1xi32>
    %broadcast_in_dim3A_397 = vector.broadcast %broadcast_in_dim3A_396 : vector<1x1xi32> to vector<256x1xi32>
    %select_n3A_398 = arith.select %eq3A_394, %broadcast_in_dim3A_397, %select_n3A_379 : vector<256x1xi1>, vector<256x1xi32>
    %eq3A_399 = arith.constant 6 : i32
    %eq3A_400 = vector.broadcast %eq3A_399 : i32 to vector<256x1xi32>
    %eq3A_401 = arith.cmpi eq, %get3A_100, %eq3A_400 : vector<256x1xi32>
    %convert_element_type3A_402 = arith.extui %eq3A_401 : vector<256x1xi1> to vector<256x1xi32>
    %convert_element_type3A_403 = arith.sitofp %convert_element_type3A_402 : vector<256x1xi32> to vector<256x1xf32>
    %reduce_sum3A_404 = vector.shape_cast %convert_element_type3A_403 : vector<256x1xf32> to vector<1x256x1xf32>
    %reduce_sum3A_405 = arith.constant dense<0.000000e+00> : vector<1xf32>
    %reduce_sum3A_406 = vector.multi_reduction <add>, %reduce_sum3A_404, %reduce_sum3A_405 [1, 2] : vector<1x256x1xf32> to vector<1xf32>
    %reduce_sum3A_407 = vector.shape_cast %reduce_sum3A_406 : vector<1xf32> to vector<1x1x1xf32>
    %reduce_sum3A_408 = vector.extract %reduce_sum3A_407[0, 0, 0] : f32 from vector<1x1x1xf32>
    %broadcast_in_dim3A_409 = vector.broadcast %reduce_sum3A_408 : f32 to vector<1x1xf32>
    %convert_element_type3A_410 = arith.fptosi %broadcast_in_dim3A_409 : vector<1x1xf32> to vector<1x1xi32>
    %eq3A_411 = arith.constant 7 : i32
    %eq3A_412 = vector.broadcast %eq3A_411 : i32 to vector<256x1xi32>
    %eq3A_413 = arith.cmpi eq, %get3A_100, %eq3A_412 : vector<256x1xi32>
    %slice3A_414 = vector.extract_strided_slice %get3A_275 {offsets = [0, 7], sizes = [1, 1], strides = [1, 1]} : vector<1x8xi32> to vector<1x1xi32>
    %broadcast_in_dim3A_415 = vector.shape_cast %slice3A_414 : vector<1x1xi32> to vector<1x1xi32>
    %broadcast_in_dim3A_416 = vector.broadcast %broadcast_in_dim3A_415 : vector<1x1xi32> to vector<256x1xi32>
    %select_n3A_417 = arith.select %eq3A_413, %broadcast_in_dim3A_416, %select_n3A_398 : vector<256x1xi1>, vector<256x1xi32>
    %eq3A_418 = arith.constant 7 : i32
    %eq3A_419 = vector.broadcast %eq3A_418 : i32 to vector<256x1xi32>
    %eq3A_420 = arith.cmpi eq, %get3A_100, %eq3A_419 : vector<256x1xi32>
    %convert_element_type3A_421 = arith.extui %eq3A_420 : vector<256x1xi1> to vector<256x1xi32>
    %convert_element_type3A_422 = arith.sitofp %convert_element_type3A_421 : vector<256x1xi32> to vector<256x1xf32>
    %reduce_sum3A_423 = vector.shape_cast %convert_element_type3A_422 : vector<256x1xf32> to vector<1x256x1xf32>
    %reduce_sum3A_424 = arith.constant dense<0.000000e+00> : vector<1xf32>
    %reduce_sum3A_425 = vector.multi_reduction <add>, %reduce_sum3A_423, %reduce_sum3A_424 [1, 2] : vector<1x256x1xf32> to vector<1xf32>
    %reduce_sum3A_426 = vector.shape_cast %reduce_sum3A_425 : vector<1xf32> to vector<1x1x1xf32>
    %reduce_sum3A_427 = vector.extract %reduce_sum3A_426[0, 0, 0] : f32 from vector<1x1x1xf32>
    %broadcast_in_dim3A_428 = vector.broadcast %reduce_sum3A_427 : f32 to vector<1x1xf32>
    %convert_element_type3A_429 = arith.fptosi %broadcast_in_dim3A_428 : vector<1x1xf32> to vector<1x1xi32>
    %concatenate3A_430 = tpu.concatenate %convert_element_type3A_296, %convert_element_type3A_315, %convert_element_type3A_334, %convert_element_type3A_353, %convert_element_type3A_372, %convert_element_type3A_391, %convert_element_type3A_410, %convert_element_type3A_429 in 1 : vector<1x1xi32>, vector<1x1xi32>, vector<1x1xi32>, vector<1x1xi32>, vector<1x1xi32>, vector<1x1xi32>, vector<1x1xi32>, vector<1x1xi32> -> vector<1x8xi32>
    %add3A_431 = arith.addi %get3A_275, %concatenate3A_430 : vector<1x8xi32>
    %swap3A_432 = arith.constant 0 : index
    %swap3A_433 = arith.constant 0 : index
    %swap3A_434 = vector.load %arg17[%swap3A_432, %swap3A_433] : memref<1x8xi32, #tpu.memory_space<vmem>>, vector<1x8xi32>
    tpu.vector_store %arg17[%swap3A_432, %swap3A_433], %add3A_431 {strides = array<i32>} : memref<1x8xi32, #tpu.memory_space<vmem>>, vector<1x8xi32>,
    %add3A_435 = arith.addi %select_n3A_417, %convert_element_type3A_272 : vector<256x1xi32>
    %ge3A_436 = arith.constant 0 : i32
    %ge3A_437 = arith.cmpi sge, %arg0, %ge3A_436 : i32
    %convert_element_type3A_438 = arith.extui %ge3A_437 : i1 to i32
    %cond3A_439 = arith.constant 0 : i32
    %cond3A_440 = arith.cmpi ne, %convert_element_type3A_438, %cond3A_439 : i32
    scf.if %cond3A_440 {
      %iota3A_476 = tpu.iota {dimensions = array<i32: 1>} : vector<256x512xi32>
      %add3A_477 = arith.constant 0 : i32
      %add3A_478 = vector.broadcast %add3A_477 : i32 to vector<256x512xi32>
      %add3A_479 = arith.addi %add3A_478, %iota3A_476 : vector<256x512xi32>
      %eq3A_480 = vector.broadcast %add3A_435 : vector<256x1xi32> to vector<256x512xi32>
      %eq3A_481 = arith.cmpi eq, %add3A_479, %eq3A_480 : vector<256x512xi32>
      %get3A_482 = arith.constant 0 : index
      %get3A_483 = arith.constant 0 : index
      %get3A_484 = vector.load %arg15[%get3A_482, %get3A_483] : memref<1x4096xf32, #tpu.memory_space<vmem>>, vector<1x512xf32>
      %jit3A = arith.constant 0.000000e+00 : f32
      %broadcast_in_dim3A_485 = vector.shape_cast %convert_element_type3A_258 : vector<256x1xf32> to vector<256x1xf32>
      %broadcast_in_dim3A_486 = vector.broadcast %broadcast_in_dim3A_485 : vector<256x1xf32> to vector<256x512xf32>
      %broadcast_in_dim3A_487 = vector.broadcast %jit3A : f32 to vector<256x512xf32>
      %select_n3A_488 = arith.select %eq3A_481, %broadcast_in_dim3A_486, %broadcast_in_dim3A_487 : vector<256x512xi1>, vector<256x512xf32>
      %reduce_sum3A_489 = arith.constant dense<0.000000e+00> : vector<512xf32>
      %reduce_sum3A_490 = vector.multi_reduction <add>, %select_n3A_488, %reduce_sum3A_489 [0] : vector<256x512xf32> to vector<512xf32>
      %broadcast_in_dim3A_491 = vector.shape_cast %reduce_sum3A_490 : vector<512xf32> to vector<1x512xf32>
      %add3A_492 = arith.addf %get3A_484, %broadcast_in_dim3A_491 : vector<1x512xf32>
      %swap3A_493 = arith.constant 0 : index
      %swap3A_494 = arith.constant 0 : index
      %swap3A_495 = vector.load %arg15[%swap3A_493, %swap3A_494] : memref<1x4096xf32, #tpu.memory_space<vmem>>, vector<1x512xf32>
      tpu.vector_store %arg15[%swap3A_493, %swap3A_494], %add3A_492 {strides = array<i32>} : memref<1x4096xf32, #tpu.memory_space<vmem>>, vector<1x512xf32>,
    } else {
    }
    %ge3A_441 = arith.constant 2 : i32
    %ge3A_442 = arith.cmpi sge, %arg0, %ge3A_441 : i32
    %convert_element_type3A_443 = arith.extui %ge3A_442 : i1 to i32
    %cond3A_444 = arith.constant 0 : i32
    %cond3A_445 = arith.cmpi ne, %convert_element_type3A_443, %cond3A_444 : i32
    scf.if %cond3A_445 {
      %iota3A_476 = tpu.iota {dimensions = array<i32: 1>} : vector<256x512xi32>
      %add3A_477 = arith.constant 512 : i32
      %add3A_478 = vector.broadcast %add3A_477 : i32 to vector<256x512xi32>
      %add3A_479 = arith.addi %add3A_478, %iota3A_476 : vector<256x512xi32>
      %eq3A_480 = vector.broadcast %add3A_435 : vector<256x1xi32> to vector<256x512xi32>
      %eq3A_481 = arith.cmpi eq, %add3A_479, %eq3A_480 : vector<256x512xi32>
      %get3A_482 = arith.constant 0 : index
      %get3A_483 = arith.constant 512 : index
      %get3A_484 = vector.load %arg15[%get3A_482, %get3A_483] : memref<1x4096xf32, #tpu.memory_space<vmem>>, vector<1x512xf32>
      %jit3A = arith.constant 0.000000e+00 : f32
      %broadcast_in_dim3A_485 = vector.shape_cast %convert_element_type3A_258 : vector<256x1xf32> to vector<256x1xf32>
      %broadcast_in_dim3A_486 = vector.broadcast %broadcast_in_dim3A_485 : vector<256x1xf32> to vector<256x512xf32>
      %broadcast_in_dim3A_487 = vector.broadcast %jit3A : f32 to vector<256x512xf32>
      %select_n3A_488 = arith.select %eq3A_481, %broadcast_in_dim3A_486, %broadcast_in_dim3A_487 : vector<256x512xi1>, vector<256x512xf32>
      %reduce_sum3A_489 = arith.constant dense<0.000000e+00> : vector<512xf32>
      %reduce_sum3A_490 = vector.multi_reduction <add>, %select_n3A_488, %reduce_sum3A_489 [0] : vector<256x512xf32> to vector<512xf32>
      %broadcast_in_dim3A_491 = vector.shape_cast %reduce_sum3A_490 : vector<512xf32> to vector<1x512xf32>
      %add3A_492 = arith.addf %get3A_484, %broadcast_in_dim3A_491 : vector<1x512xf32>
      %swap3A_493 = arith.constant 0 : index
      %swap3A_494 = arith.constant 512 : index
      %swap3A_495 = vector.load %arg15[%swap3A_493, %swap3A_494] : memref<1x4096xf32, #tpu.memory_space<vmem>>, vector<1x512xf32>
      tpu.vector_store %arg15[%swap3A_493, %swap3A_494], %add3A_492 {strides = array<i32>} : memref<1x4096xf32, #tpu.memory_space<vmem>>, vector<1x512xf32>,
    } else {
    }
    %ge3A_446 = arith.constant 4 : i32
    %ge3A_447 = arith.cmpi sge, %arg0, %ge3A_446 : i32
    %convert_element_type3A_448 = arith.extui %ge3A_447 : i1 to i32
    %cond3A_449 = arith.constant 0 : i32
    %cond3A_450 = arith.cmpi ne, %convert_element_type3A_448, %cond3A_449 : i32
    scf.if %cond3A_450 {
      %iota3A_476 = tpu.iota {dimensions = array<i32: 1>} : vector<256x512xi32>
      %add3A_477 = arith.constant 1024 : i32
      %add3A_478 = vector.broadcast %add3A_477 : i32 to vector<256x512xi32>
      %add3A_479 = arith.addi %add3A_478, %iota3A_476 : vector<256x512xi32>
      %eq3A_480 = vector.broadcast %add3A_435 : vector<256x1xi32> to vector<256x512xi32>
      %eq3A_481 = arith.cmpi eq, %add3A_479, %eq3A_480 : vector<256x512xi32>
      %get3A_482 = arith.constant 0 : index
      %get3A_483 = arith.constant 1024 : index
      %get3A_484 = vector.load %arg15[%get3A_482, %get3A_483] : memref<1x4096xf32, #tpu.memory_space<vmem>>, vector<1x512xf32>
      %jit3A = arith.constant 0.000000e+00 : f32
      %broadcast_in_dim3A_485 = vector.shape_cast %convert_element_type3A_258 : vector<256x1xf32> to vector<256x1xf32>
      %broadcast_in_dim3A_486 = vector.broadcast %broadcast_in_dim3A_485 : vector<256x1xf32> to vector<256x512xf32>
      %broadcast_in_dim3A_487 = vector.broadcast %jit3A : f32 to vector<256x512xf32>
      %select_n3A_488 = arith.select %eq3A_481, %broadcast_in_dim3A_486, %broadcast_in_dim3A_487 : vector<256x512xi1>, vector<256x512xf32>
      %reduce_sum3A_489 = arith.constant dense<0.000000e+00> : vector<512xf32>
      %reduce_sum3A_490 = vector.multi_reduction <add>, %select_n3A_488, %reduce_sum3A_489 [0] : vector<256x512xf32> to vector<512xf32>
      %broadcast_in_dim3A_491 = vector.shape_cast %reduce_sum3A_490 : vector<512xf32> to vector<1x512xf32>
      %add3A_492 = arith.addf %get3A_484, %broadcast_in_dim3A_491 : vector<1x512xf32>
      %swap3A_493 = arith.constant 0 : index
      %swap3A_494 = arith.constant 1024 : index
      %swap3A_495 = vector.load %arg15[%swap3A_493, %swap3A_494] : memref<1x4096xf32, #tpu.memory_space<vmem>>, vector<1x512xf32>
      tpu.vector_store %arg15[%swap3A_493, %swap3A_494], %add3A_492 {strides = array<i32>} : memref<1x4096xf32, #tpu.memory_space<vmem>>, vector<1x512xf32>,
    } else {
    }
    %ge3A_451 = arith.constant 6 : i32
    %ge3A_452 = arith.cmpi sge, %arg0, %ge3A_451 : i32
    %convert_element_type3A_453 = arith.extui %ge3A_452 : i1 to i32
    %cond3A_454 = arith.constant 0 : i32
    %cond3A_455 = arith.cmpi ne, %convert_element_type3A_453, %cond3A_454 : i32
    scf.if %cond3A_455 {
      %iota3A_476 = tpu.iota {dimensions = array<i32: 1>} : vector<256x512xi32>
      %add3A_477 = arith.constant 1536 : i32
      %add3A_478 = vector.broadcast %add3A_477 : i32 to vector<256x512xi32>
      %add3A_479 = arith.addi %add3A_478, %iota3A_476 : vector<256x512xi32>
      %eq3A_480 = vector.broadcast %add3A_435 : vector<256x1xi32> to vector<256x512xi32>
      %eq3A_481 = arith.cmpi eq, %add3A_479, %eq3A_480 : vector<256x512xi32>
      %get3A_482 = arith.constant 0 : index
      %get3A_483 = arith.constant 1536 : index
      %get3A_484 = vector.load %arg15[%get3A_482, %get3A_483] : memref<1x4096xf32, #tpu.memory_space<vmem>>, vector<1x512xf32>
      %jit3A = arith.constant 0.000000e+00 : f32
      %broadcast_in_dim3A_485 = vector.shape_cast %convert_element_type3A_258 : vector<256x1xf32> to vector<256x1xf32>
      %broadcast_in_dim3A_486 = vector.broadcast %broadcast_in_dim3A_485 : vector<256x1xf32> to vector<256x512xf32>
      %broadcast_in_dim3A_487 = vector.broadcast %jit3A : f32 to vector<256x512xf32>
      %select_n3A_488 = arith.select %eq3A_481, %broadcast_in_dim3A_486, %broadcast_in_dim3A_487 : vector<256x512xi1>, vector<256x512xf32>
      %reduce_sum3A_489 = arith.constant dense<0.000000e+00> : vector<512xf32>
      %reduce_sum3A_490 = vector.multi_reduction <add>, %select_n3A_488, %reduce_sum3A_489 [0] : vector<256x512xf32> to vector<512xf32>
      %broadcast_in_dim3A_491 = vector.shape_cast %reduce_sum3A_490 : vector<512xf32> to vector<1x512xf32>
      %add3A_492 = arith.addf %get3A_484, %broadcast_in_dim3A_491 : vector<1x512xf32>
      %swap3A_493 = arith.constant 0 : index
      %swap3A_494 = arith.constant 1536 : index
      %swap3A_495 = vector.load %arg15[%swap3A_493, %swap3A_494] : memref<1x4096xf32, #tpu.memory_space<vmem>>, vector<1x512xf32>
      tpu.vector_store %arg15[%swap3A_493, %swap3A_494], %add3A_492 {strides = array<i32>} : memref<1x4096xf32, #tpu.memory_space<vmem>>, vector<1x512xf32>,
    } else {
    }
    %ge3A_456 = arith.constant 8 : i32
    %ge3A_457 = arith.cmpi sge, %arg0, %ge3A_456 : i32
    %convert_element_type3A_458 = arith.extui %ge3A_457 : i1 to i32
    %cond3A_459 = arith.constant 0 : i32
    %cond3A_460 = arith.cmpi ne, %convert_element_type3A_458, %cond3A_459 : i32
    scf.if %cond3A_460 {
      %iota3A_476 = tpu.iota {dimensions = array<i32: 1>} : vector<256x512xi32>
      %add3A_477 = arith.constant 2048 : i32
      %add3A_478 = vector.broadcast %add3A_477 : i32 to vector<256x512xi32>
      %add3A_479 = arith.addi %add3A_478, %iota3A_476 : vector<256x512xi32>
      %eq3A_480 = vector.broadcast %add3A_435 : vector<256x1xi32> to vector<256x512xi32>
      %eq3A_481 = arith.cmpi eq, %add3A_479, %eq3A_480 : vector<256x512xi32>
      %get3A_482 = arith.constant 0 : index
      %get3A_483 = arith.constant 2048 : index
      %get3A_484 = vector.load %arg15[%get3A_482, %get3A_483] : memref<1x4096xf32, #tpu.memory_space<vmem>>, vector<1x512xf32>
      %jit3A = arith.constant 0.000000e+00 : f32
      %broadcast_in_dim3A_485 = vector.shape_cast %convert_element_type3A_258 : vector<256x1xf32> to vector<256x1xf32>
      %broadcast_in_dim3A_486 = vector.broadcast %broadcast_in_dim3A_485 : vector<256x1xf32> to vector<256x512xf32>
      %broadcast_in_dim3A_487 = vector.broadcast %jit3A : f32 to vector<256x512xf32>
      %select_n3A_488 = arith.select %eq3A_481, %broadcast_in_dim3A_486, %broadcast_in_dim3A_487 : vector<256x512xi1>, vector<256x512xf32>
      %reduce_sum3A_489 = arith.constant dense<0.000000e+00> : vector<512xf32>
      %reduce_sum3A_490 = vector.multi_reduction <add>, %select_n3A_488, %reduce_sum3A_489 [0] : vector<256x512xf32> to vector<512xf32>
      %broadcast_in_dim3A_491 = vector.shape_cast %reduce_sum3A_490 : vector<512xf32> to vector<1x512xf32>
      %add3A_492 = arith.addf %get3A_484, %broadcast_in_dim3A_491 : vector<1x512xf32>
      %swap3A_493 = arith.constant 0 : index
      %swap3A_494 = arith.constant 2048 : index
      %swap3A_495 = vector.load %arg15[%swap3A_493, %swap3A_494] : memref<1x4096xf32, #tpu.memory_space<vmem>>, vector<1x512xf32>
      tpu.vector_store %arg15[%swap3A_493, %swap3A_494], %add3A_492 {strides = array<i32>} : memref<1x4096xf32, #tpu.memory_space<vmem>>, vector<1x512xf32>,
    } else {
    }
    %ge3A_461 = arith.constant 10 : i32
    %ge3A_462 = arith.cmpi sge, %arg0, %ge3A_461 : i32
    %convert_element_type3A_463 = arith.extui %ge3A_462 : i1 to i32
    %cond3A_464 = arith.constant 0 : i32
    %cond3A_465 = arith.cmpi ne, %convert_element_type3A_463, %cond3A_464 : i32
    scf.if %cond3A_465 {
      %iota3A_476 = tpu.iota {dimensions = array<i32: 1>} : vector<256x512xi32>
      %add3A_477 = arith.constant 2560 : i32
      %add3A_478 = vector.broadcast %add3A_477 : i32 to vector<256x512xi32>
      %add3A_479 = arith.addi %add3A_478, %iota3A_476 : vector<256x512xi32>
      %eq3A_480 = vector.broadcast %add3A_435 : vector<256x1xi32> to vector<256x512xi32>
      %eq3A_481 = arith.cmpi eq, %add3A_479, %eq3A_480 : vector<256x512xi32>
      %get3A_482 = arith.constant 0 : index
      %get3A_483 = arith.constant 2560 : index
      %get3A_484 = vector.load %arg15[%get3A_482, %get3A_483] : memref<1x4096xf32, #tpu.memory_space<vmem>>, vector<1x512xf32>
      %jit3A = arith.constant 0.000000e+00 : f32
      %broadcast_in_dim3A_485 = vector.shape_cast %convert_element_type3A_258 : vector<256x1xf32> to vector<256x1xf32>
      %broadcast_in_dim3A_486 = vector.broadcast %broadcast_in_dim3A_485 : vector<256x1xf32> to vector<256x512xf32>
      %broadcast_in_dim3A_487 = vector.broadcast %jit3A : f32 to vector<256x512xf32>
      %select_n3A_488 = arith.select %eq3A_481, %broadcast_in_dim3A_486, %broadcast_in_dim3A_487 : vector<256x512xi1>, vector<256x512xf32>
      %reduce_sum3A_489 = arith.constant dense<0.000000e+00> : vector<512xf32>
      %reduce_sum3A_490 = vector.multi_reduction <add>, %select_n3A_488, %reduce_sum3A_489 [0] : vector<256x512xf32> to vector<512xf32>
      %broadcast_in_dim3A_491 = vector.shape_cast %reduce_sum3A_490 : vector<512xf32> to vector<1x512xf32>
      %add3A_492 = arith.addf %get3A_484, %broadcast_in_dim3A_491 : vector<1x512xf32>
      %swap3A_493 = arith.constant 0 : index
      %swap3A_494 = arith.constant 2560 : index
      %swap3A_495 = vector.load %arg15[%swap3A_493, %swap3A_494] : memref<1x4096xf32, #tpu.memory_space<vmem>>, vector<1x512xf32>
      tpu.vector_store %arg15[%swap3A_493, %swap3A_494], %add3A_492 {strides = array<i32>} : memref<1x4096xf32, #tpu.memory_space<vmem>>, vector<1x512xf32>,
    } else {
    }
    %ge3A_466 = arith.constant 12 : i32
    %ge3A_467 = arith.cmpi sge, %arg0, %ge3A_466 : i32
    %convert_element_type3A_468 = arith.extui %ge3A_467 : i1 to i32
    %cond3A_469 = arith.constant 0 : i32
    %cond3A_470 = arith.cmpi ne, %convert_element_type3A_468, %cond3A_469 : i32
    scf.if %cond3A_470 {
      %iota3A_476 = tpu.iota {dimensions = array<i32: 1>} : vector<256x512xi32>
      %add3A_477 = arith.constant 3072 : i32
      %add3A_478 = vector.broadcast %add3A_477 : i32 to vector<256x512xi32>
      %add3A_479 = arith.addi %add3A_478, %iota3A_476 : vector<256x512xi32>
      %eq3A_480 = vector.broadcast %add3A_435 : vector<256x1xi32> to vector<256x512xi32>
      %eq3A_481 = arith.cmpi eq, %add3A_479, %eq3A_480 : vector<256x512xi32>
      %get3A_482 = arith.constant 0 : index
      %get3A_483 = arith.constant 3072 : index
      %get3A_484 = vector.load %arg15[%get3A_482, %get3A_483] : memref<1x4096xf32, #tpu.memory_space<vmem>>, vector<1x512xf32>
      %jit3A = arith.constant 0.000000e+00 : f32
      %broadcast_in_dim3A_485 = vector.shape_cast %convert_element_type3A_258 : vector<256x1xf32> to vector<256x1xf32>
      %broadcast_in_dim3A_486 = vector.broadcast %broadcast_in_dim3A_485 : vector<256x1xf32> to vector<256x512xf32>
      %broadcast_in_dim3A_487 = vector.broadcast %jit3A : f32 to vector<256x512xf32>
      %select_n3A_488 = arith.select %eq3A_481, %broadcast_in_dim3A_486, %broadcast_in_dim3A_487 : vector<256x512xi1>, vector<256x512xf32>
      %reduce_sum3A_489 = arith.constant dense<0.000000e+00> : vector<512xf32>
      %reduce_sum3A_490 = vector.multi_reduction <add>, %select_n3A_488, %reduce_sum3A_489 [0] : vector<256x512xf32> to vector<512xf32>
      %broadcast_in_dim3A_491 = vector.shape_cast %reduce_sum3A_490 : vector<512xf32> to vector<1x512xf32>
      %add3A_492 = arith.addf %get3A_484, %broadcast_in_dim3A_491 : vector<1x512xf32>
      %swap3A_493 = arith.constant 0 : index
      %swap3A_494 = arith.constant 3072 : index
      %swap3A_495 = vector.load %arg15[%swap3A_493, %swap3A_494] : memref<1x4096xf32, #tpu.memory_space<vmem>>, vector<1x512xf32>
      tpu.vector_store %arg15[%swap3A_493, %swap3A_494], %add3A_492 {strides = array<i32>} : memref<1x4096xf32, #tpu.memory_space<vmem>>, vector<1x512xf32>,
    } else {
    }
    %ge3A_471 = arith.constant 14 : i32
    %ge3A_472 = arith.cmpi sge, %arg0, %ge3A_471 : i32
    %convert_element_type3A_473 = arith.extui %ge3A_472 : i1 to i32
    %cond3A_474 = arith.constant 0 : i32
    %cond3A_475 = arith.cmpi ne, %convert_element_type3A_473, %cond3A_474 : i32
    scf.if %cond3A_475 {
      %iota3A_476 = tpu.iota {dimensions = array<i32: 1>} : vector<256x512xi32>
      %add3A_477 = arith.constant 3584 : i32
      %add3A_478 = vector.broadcast %add3A_477 : i32 to vector<256x512xi32>
      %add3A_479 = arith.addi %add3A_478, %iota3A_476 : vector<256x512xi32>
      %eq3A_480 = vector.broadcast %add3A_435 : vector<256x1xi32> to vector<256x512xi32>
      %eq3A_481 = arith.cmpi eq, %add3A_479, %eq3A_480 : vector<256x512xi32>
      %get3A_482 = arith.constant 0 : index
      %get3A_483 = arith.constant 3584 : index
      %get3A_484 = vector.load %arg15[%get3A_482, %get3A_483] : memref<1x4096xf32, #tpu.memory_space<vmem>>, vector<1x512xf32>
      %jit3A = arith.constant 0.000000e+00 : f32
      %broadcast_in_dim3A_485 = vector.shape_cast %convert_element_type3A_258 : vector<256x1xf32> to vector<256x1xf32>
      %broadcast_in_dim3A_486 = vector.broadcast %broadcast_in_dim3A_485 : vector<256x1xf32> to vector<256x512xf32>
      %broadcast_in_dim3A_487 = vector.broadcast %jit3A : f32 to vector<256x512xf32>
      %select_n3A_488 = arith.select %eq3A_481, %broadcast_in_dim3A_486, %broadcast_in_dim3A_487 : vector<256x512xi1>, vector<256x512xf32>
      %reduce_sum3A_489 = arith.constant dense<0.000000e+00> : vector<512xf32>
      %reduce_sum3A_490 = vector.multi_reduction <add>, %select_n3A_488, %reduce_sum3A_489 [0] : vector<256x512xf32> to vector<512xf32>
      %broadcast_in_dim3A_491 = vector.shape_cast %reduce_sum3A_490 : vector<512xf32> to vector<1x512xf32>
      %add3A_492 = arith.addf %get3A_484, %broadcast_in_dim3A_491 : vector<1x512xf32>
      %swap3A_493 = arith.constant 0 : index
      %swap3A_494 = arith.constant 3584 : index
      %swap3A_495 = vector.load %arg15[%swap3A_493, %swap3A_494] : memref<1x4096xf32, #tpu.memory_space<vmem>>, vector<1x512xf32>
      tpu.vector_store %arg15[%swap3A_493, %swap3A_494], %add3A_492 {strides = array<i32>} : memref<1x4096xf32, #tpu.memory_space<vmem>>, vector<1x512xf32>,
    } else {
    }
    return
  }
  func.func @transform_0(%arg0: i32) -> (i32, i32) {
    %c0_i32 = arith.constant 0 : i32
    %c0_i32_0 = arith.constant 0 : i32
    return %arg0, %c0_i32 : i32, i32
  }
  func.func @transform_1(%arg0: i32) -> (i32, i32) {
    %c0_i32 = arith.constant 0 : i32
    %c0_i32_0 = arith.constant 0 : i32
    %c0_i32_1 = arith.constant 0 : i32
    return %c0_i32, %c0_i32_0 : i32, i32
  }
  func.func @transform_2(%arg0: i32) -> (i32, i32) {
    %c0_i32 = arith.constant 0 : i32
    %c0_i32_0 = arith.constant 0 : i32
    return %arg0, %c0_i32 : i32, i32
  }
  func.func @transform_3(%arg0: i32) -> (i32, i32) {
    %c0_i32 = arith.constant 0 : i32
    %c0_i32_0 = arith.constant 0 : i32
    %c0_i32_1 = arith.constant 0 : i32
    return %c0_i32, %c0_i32_0 : i32, i32
  }
  func.func @transform_4(%arg0: i32) -> (i32, i32) {
    %c0_i32 = arith.constant 0 : i32
    %c0_i32_0 = arith.constant 0 : i32
    %c0_i32_1 = arith.constant 0 : i32
    return %c0_i32, %c0_i32_0 : i32, i32
  }
  func.func @transform_5(%arg0: i32) -> (i32, i32) {
    %c0_i32 = arith.constant 0 : i32
    %c0_i32_0 = arith.constant 0 : i32
    %c0_i32_1 = arith.constant 0 : i32
    return %c0_i32, %c0_i32_0 : i32, i32
  }
  func.func @transform_6(%arg0: i32) -> (i32, i32) {
    %c0_i32 = arith.constant 0 : i32
    %c0_i32_0 = arith.constant 0 : i32
    return %arg0, %c0_i32 : i32, i32
  }
  func.func @transform_7(%arg0: i32) -> (i32, i32) {
    %c0_i32 = arith.constant 0 : i32
    %c0_i32_0 = arith.constant 0 : i32
    %c0_i32_1 = arith.constant 0 : i32
    return %c0_i32, %c0_i32_0 : i32, i32
  }
  func.func @transform_8(%arg0: i32) -> (i32, i32) {
    %c0_i32 = arith.constant 0 : i32
    %c0_i32_0 = arith.constant 0 : i32
    %c0_i32_1 = arith.constant 0 : i32
    return %c0_i32, %c0_i32_0 : i32, i32
  }
  func.func @transform_9(%arg0: i32) -> (i32, i32) {
    %c0_i32 = arith.constant 0 : i32
    %c0_i32_0 = arith.constant 0 : i32
    %c0_i32_1 = arith.constant 0 : i32
    return %c0_i32, %c0_i32_0 : i32, i32
  }
  func.func @transform_10(%arg0: i32) -> (i32, i32) {
    %c0_i32 = arith.constant 0 : i32
    %c0_i32_0 = arith.constant 0 : i32
    %c0_i32_1 = arith.constant 0 : i32
    return %c0_i32, %c0_i32_0 : i32, i32
  }
  func.func @transform_11(%arg0: i32) -> (i32, i32) {
    %c0_i32 = arith.constant 0 : i32
    %c0_i32_0 = arith.constant 0 : i32
    %c0_i32_1 = arith.constant 0 : i32
    return %c0_i32, %c0_i32_0 : i32, i32
  }
  func.func @transform_12(%arg0: i32) -> (i32, i32) {
    %c0_i32 = arith.constant 0 : i32
    %c0_i32_0 = arith.constant 0 : i32
    %c0_i32_1 = arith.constant 0 : i32
    return %c0_i32, %c0_i32_0 : i32, i32
  }
  func.func @transform_13(%arg0: i32) -> (i32, i32) {
    %c0_i32 = arith.constant 0 : i32
    %c0_i32_0 = arith.constant 0 : i32
    return %arg0, %c0_i32 : i32, i32
  }
  func.func @transform_14(%arg0: i32) -> (i32, i32) {
    %c0_i32 = arith.constant 0 : i32
    %c0_i32_0 = arith.constant 0 : i32
    %c0_i32_1 = arith.constant 0 : i32
    return %c0_i32, %c0_i32_0 : i32, i32
  }
}

module attributes {stable_mosaic.version = 14 : i64} {
  func.func @_k2(%arg0: memref<32x128xf32, #tpu.memory_space<vmem>>, %arg1: memref<32x128xi32, #tpu.memory_space<vmem>>, %arg2: memref<32x128xf32, #tpu.memory_space<vmem>>, %arg3: memref<32x128xf32, #tpu.memory_space<vmem>>, %arg4: memref<32x128xf32, #tpu.memory_space<vmem>>, %arg5: memref<32x128xf32, #tpu.memory_space<vmem>>, %arg6: memref<32x128xf32, #tpu.memory_space<vmem>>, %arg7: memref<32x128xf32, #tpu.memory_space<vmem>>) attributes {dimension_semantics = [], scalar_prefetch = 0 : i64, scratch_operands = 0 : i64, tpu.core_type = #tpu.core_type<tc>} {
    %get3A = arith.constant 0 : index
    %get3A_0 = arith.constant 0 : index
    %get3A_1 = vector.load %arg5[%get3A, %get3A_0] : memref<32x128xf32, #tpu.memory_space<vmem>>, vector<32x128xf32>
    %convert_element_type3A = arith.fptosi %get3A_1 : vector<32x128xf32> to vector<32x128xi32>
    %iota3A = tpu.iota {dimensions = array<i32: 0>} : vector<32x128xi32>
    %mul3A = arith.constant 128 : i32
    %mul3A_2 = vector.broadcast %mul3A : i32 to vector<32x128xi32>
    %mul3A_3 = arith.muli %iota3A, %mul3A_2 : vector<32x128xi32>
    %iota3A_4 = tpu.iota {dimensions = array<i32: 1>} : vector<32x128xi32>
    %add3A = arith.addi %mul3A_3, %iota3A_4 : vector<32x128xi32>
    %get3A_5 = arith.constant 0 : index
    %get3A_6 = arith.constant 0 : index
    %get3A_7 = vector.load %arg1[%get3A_5, %get3A_6] : memref<32x128xi32, #tpu.memory_space<vmem>>, vector<32x128xi32>
    %broadcast_in_dim3A = arith.constant 0 : i32
    %broadcast_in_dim3A_8 = vector.broadcast %broadcast_in_dim3A : i32 to vector<32x128xi32>
    %broadcast_in_dim3A_9 = arith.constant 0 : i32
    %broadcast_in_dim3A_10 = vector.broadcast %broadcast_in_dim3A_9 : i32 to vector<32x128xi32>
    %broadcast_in_dim3A_11 = arith.constant 0 : i32
    %broadcast_in_dim3A_12 = vector.broadcast %broadcast_in_dim3A_11 : i32 to vector<32x128xi32>
    %eq3A = arith.constant 0 : i32
    %eq3A_13 = vector.broadcast %eq3A : i32 to vector<32x128xi32>
    %eq3A_14 = arith.cmpi eq, %get3A_7, %eq3A_13 : vector<32x128xi32>
    %convert_element_type3A_15 = arith.extui %eq3A_14 : vector<32x128xi1> to vector<32x128xi32>
    %convert_element_type3A_16 = arith.sitofp %convert_element_type3A_15 : vector<32x128xi32> to vector<32x128xf32>
    %reduce_sum3A = vector.shape_cast %convert_element_type3A_16 : vector<32x128xf32> to vector<1x32x128xf32>
    %reduce_sum3A_17 = arith.constant dense<0.000000e+00> : vector<1xf32>
    %reduce_sum3A_18 = vector.multi_reduction <add>, %reduce_sum3A, %reduce_sum3A_17 [1, 2] : vector<1x32x128xf32> to vector<1xf32>
    %reduce_sum3A_19 = vector.shape_cast %reduce_sum3A_18 : vector<1xf32> to vector<1x1x1xf32>
    %reduce_sum3A_20 = vector.extract %reduce_sum3A_19[0, 0, 0] : f32 from vector<1x1x1xf32>
    %convert_element_type3A_21 = arith.fptosi %reduce_sum3A_20 : f32 to i32
    %lt3A = vector.broadcast %convert_element_type3A_21 : i32 to vector<32x128xi32>
    %lt3A_22 = arith.cmpi slt, %add3A, %lt3A : vector<32x128xi32>
    %shift_right_logical3A = arith.constant 0 : i32
    %shift_right_logical3A_23 = vector.broadcast %shift_right_logical3A : i32 to vector<32x128xi32>
    %shift_right_logical3A_24 = arith.shrui %convert_element_type3A, %shift_right_logical3A_23 : vector<32x128xi32>
    %and3A = arith.constant 1 : i32
    %and3A_25 = vector.broadcast %and3A : i32 to vector<32x128xi32>
    %and3A_26 = arith.andi %shift_right_logical3A_24, %and3A_25 : vector<32x128xi32>
    %shift_right_logical3A_27 = arith.constant 1 : i32
    %shift_right_logical3A_28 = vector.broadcast %shift_right_logical3A_27 : i32 to vector<32x128xi32>
    %shift_right_logical3A_29 = arith.shrui %convert_element_type3A, %shift_right_logical3A_28 : vector<32x128xi32>
    %and3A_30 = arith.constant 1 : i32
    %and3A_31 = vector.broadcast %and3A_30 : i32 to vector<32x128xi32>
    %and3A_32 = arith.andi %shift_right_logical3A_29, %and3A_31 : vector<32x128xi32>
    %convert_element_type3A_33 = arith.extui %lt3A_22 : vector<32x128xi1> to vector<32x128xi32>
    %sub3A = arith.constant 1 : i32
    %sub3A_34 = vector.broadcast %sub3A : i32 to vector<32x128xi32>
    %sub3A_35 = arith.subi %sub3A_34, %and3A_26 : vector<32x128xi32>
    %mul3A_36 = arith.muli %convert_element_type3A_33, %sub3A_35 : vector<32x128xi32>
    %sub3A_37 = arith.constant 1 : i32
    %sub3A_38 = vector.broadcast %sub3A_37 : i32 to vector<32x128xi32>
    %sub3A_39 = arith.subi %sub3A_38, %and3A_32 : vector<32x128xi32>
    %mul3A_40 = arith.muli %mul3A_36, %sub3A_39 : vector<32x128xi32>
    %add3A_41 = arith.addi %broadcast_in_dim3A_8, %and3A_26 : vector<32x128xi32>
    %add3A_42 = arith.addi %broadcast_in_dim3A_10, %mul3A_40 : vector<32x128xi32>
    %add3A_43 = arith.addi %broadcast_in_dim3A_12, %and3A_32 : vector<32x128xi32>
    %add3A_44 = arith.addi %and3A_26, %and3A_32 : vector<32x128xi32>
    %add3A_45 = arith.addi %add3A_44, %mul3A_40 : vector<32x128xi32>
    %convert_element_type3A_46 = arith.sitofp %add3A_45 : vector<32x128xi32> to vector<32x128xf32>
    %eq3A_47 = arith.constant 1 : i32
    %eq3A_48 = vector.broadcast %eq3A_47 : i32 to vector<32x128xi32>
    %eq3A_49 = arith.cmpi eq, %get3A_7, %eq3A_48 : vector<32x128xi32>
    %convert_element_type3A_50 = arith.extui %eq3A_49 : vector<32x128xi1> to vector<32x128xi32>
    %convert_element_type3A_51 = arith.sitofp %convert_element_type3A_50 : vector<32x128xi32> to vector<32x128xf32>
    %reduce_sum3A_52 = vector.shape_cast %convert_element_type3A_51 : vector<32x128xf32> to vector<1x32x128xf32>
    %reduce_sum3A_53 = arith.constant dense<0.000000e+00> : vector<1xf32>
    %reduce_sum3A_54 = vector.multi_reduction <add>, %reduce_sum3A_52, %reduce_sum3A_53 [1, 2] : vector<1x32x128xf32> to vector<1xf32>
    %reduce_sum3A_55 = vector.shape_cast %reduce_sum3A_54 : vector<1xf32> to vector<1x1x1xf32>
    %reduce_sum3A_56 = vector.extract %reduce_sum3A_55[0, 0, 0] : f32 from vector<1x1x1xf32>
    %convert_element_type3A_57 = arith.fptosi %reduce_sum3A_56 : f32 to i32
    %lt3A_58 = vector.broadcast %convert_element_type3A_57 : i32 to vector<32x128xi32>
    %lt3A_59 = arith.cmpi slt, %add3A, %lt3A_58 : vector<32x128xi32>
    %shift_right_logical3A_60 = arith.constant 2 : i32
    %shift_right_logical3A_61 = vector.broadcast %shift_right_logical3A_60 : i32 to vector<32x128xi32>
    %shift_right_logical3A_62 = arith.shrui %convert_element_type3A, %shift_right_logical3A_61 : vector<32x128xi32>
    %and3A_63 = arith.constant 1 : i32
    %and3A_64 = vector.broadcast %and3A_63 : i32 to vector<32x128xi32>
    %and3A_65 = arith.andi %shift_right_logical3A_62, %and3A_64 : vector<32x128xi32>
    %shift_right_logical3A_66 = arith.constant 3 : i32
    %shift_right_logical3A_67 = vector.broadcast %shift_right_logical3A_66 : i32 to vector<32x128xi32>
    %shift_right_logical3A_68 = arith.shrui %convert_element_type3A, %shift_right_logical3A_67 : vector<32x128xi32>
    %and3A_69 = arith.constant 1 : i32
    %and3A_70 = vector.broadcast %and3A_69 : i32 to vector<32x128xi32>
    %and3A_71 = arith.andi %shift_right_logical3A_68, %and3A_70 : vector<32x128xi32>
    %convert_element_type3A_72 = arith.extui %lt3A_59 : vector<32x128xi1> to vector<32x128xi32>
    %sub3A_73 = arith.constant 1 : i32
    %sub3A_74 = vector.broadcast %sub3A_73 : i32 to vector<32x128xi32>
    %sub3A_75 = arith.subi %sub3A_74, %and3A_65 : vector<32x128xi32>
    %mul3A_76 = arith.muli %convert_element_type3A_72, %sub3A_75 : vector<32x128xi32>
    %sub3A_77 = arith.constant 1 : i32
    %sub3A_78 = vector.broadcast %sub3A_77 : i32 to vector<32x128xi32>
    %sub3A_79 = arith.subi %sub3A_78, %and3A_71 : vector<32x128xi32>
    %mul3A_80 = arith.muli %mul3A_76, %sub3A_79 : vector<32x128xi32>
    %add3A_81 = arith.addi %add3A_41, %and3A_65 : vector<32x128xi32>
    %add3A_82 = arith.addi %add3A_42, %mul3A_80 : vector<32x128xi32>
    %add3A_83 = arith.addi %add3A_43, %and3A_71 : vector<32x128xi32>
    %add3A_84 = arith.addi %and3A_65, %and3A_71 : vector<32x128xi32>
    %add3A_85 = arith.addi %add3A_84, %mul3A_80 : vector<32x128xi32>
    %convert_element_type3A_86 = arith.sitofp %add3A_85 : vector<32x128xi32> to vector<32x128xf32>
    %eq3A_87 = arith.constant 2 : i32
    %eq3A_88 = vector.broadcast %eq3A_87 : i32 to vector<32x128xi32>
    %eq3A_89 = arith.cmpi eq, %get3A_7, %eq3A_88 : vector<32x128xi32>
    %convert_element_type3A_90 = arith.extui %eq3A_89 : vector<32x128xi1> to vector<32x128xi32>
    %convert_element_type3A_91 = arith.sitofp %convert_element_type3A_90 : vector<32x128xi32> to vector<32x128xf32>
    %reduce_sum3A_92 = vector.shape_cast %convert_element_type3A_91 : vector<32x128xf32> to vector<1x32x128xf32>
    %reduce_sum3A_93 = arith.constant dense<0.000000e+00> : vector<1xf32>
    %reduce_sum3A_94 = vector.multi_reduction <add>, %reduce_sum3A_92, %reduce_sum3A_93 [1, 2] : vector<1x32x128xf32> to vector<1xf32>
    %reduce_sum3A_95 = vector.shape_cast %reduce_sum3A_94 : vector<1xf32> to vector<1x1x1xf32>
    %reduce_sum3A_96 = vector.extract %reduce_sum3A_95[0, 0, 0] : f32 from vector<1x1x1xf32>
    %convert_element_type3A_97 = arith.fptosi %reduce_sum3A_96 : f32 to i32
    %lt3A_98 = vector.broadcast %convert_element_type3A_97 : i32 to vector<32x128xi32>
    %lt3A_99 = arith.cmpi slt, %add3A, %lt3A_98 : vector<32x128xi32>
    %shift_right_logical3A_100 = arith.constant 4 : i32
    %shift_right_logical3A_101 = vector.broadcast %shift_right_logical3A_100 : i32 to vector<32x128xi32>
    %shift_right_logical3A_102 = arith.shrui %convert_element_type3A, %shift_right_logical3A_101 : vector<32x128xi32>
    %and3A_103 = arith.constant 1 : i32
    %and3A_104 = vector.broadcast %and3A_103 : i32 to vector<32x128xi32>
    %and3A_105 = arith.andi %shift_right_logical3A_102, %and3A_104 : vector<32x128xi32>
    %shift_right_logical3A_106 = arith.constant 5 : i32
    %shift_right_logical3A_107 = vector.broadcast %shift_right_logical3A_106 : i32 to vector<32x128xi32>
    %shift_right_logical3A_108 = arith.shrui %convert_element_type3A, %shift_right_logical3A_107 : vector<32x128xi32>
    %and3A_109 = arith.constant 1 : i32
    %and3A_110 = vector.broadcast %and3A_109 : i32 to vector<32x128xi32>
    %and3A_111 = arith.andi %shift_right_logical3A_108, %and3A_110 : vector<32x128xi32>
    %convert_element_type3A_112 = arith.extui %lt3A_99 : vector<32x128xi1> to vector<32x128xi32>
    %sub3A_113 = arith.constant 1 : i32
    %sub3A_114 = vector.broadcast %sub3A_113 : i32 to vector<32x128xi32>
    %sub3A_115 = arith.subi %sub3A_114, %and3A_105 : vector<32x128xi32>
    %mul3A_116 = arith.muli %convert_element_type3A_112, %sub3A_115 : vector<32x128xi32>
    %sub3A_117 = arith.constant 1 : i32
    %sub3A_118 = vector.broadcast %sub3A_117 : i32 to vector<32x128xi32>
    %sub3A_119 = arith.subi %sub3A_118, %and3A_111 : vector<32x128xi32>
    %mul3A_120 = arith.muli %mul3A_116, %sub3A_119 : vector<32x128xi32>
    %add3A_121 = arith.addi %add3A_81, %and3A_105 : vector<32x128xi32>
    %add3A_122 = arith.addi %add3A_82, %mul3A_120 : vector<32x128xi32>
    %add3A_123 = arith.addi %add3A_83, %and3A_111 : vector<32x128xi32>
    %add3A_124 = arith.addi %and3A_105, %and3A_111 : vector<32x128xi32>
    %add3A_125 = arith.addi %add3A_124, %mul3A_120 : vector<32x128xi32>
    %convert_element_type3A_126 = arith.sitofp %add3A_125 : vector<32x128xi32> to vector<32x128xf32>
    %eq3A_127 = arith.constant 3 : i32
    %eq3A_128 = vector.broadcast %eq3A_127 : i32 to vector<32x128xi32>
    %eq3A_129 = arith.cmpi eq, %get3A_7, %eq3A_128 : vector<32x128xi32>
    %convert_element_type3A_130 = arith.extui %eq3A_129 : vector<32x128xi1> to vector<32x128xi32>
    %convert_element_type3A_131 = arith.sitofp %convert_element_type3A_130 : vector<32x128xi32> to vector<32x128xf32>
    %reduce_sum3A_132 = vector.shape_cast %convert_element_type3A_131 : vector<32x128xf32> to vector<1x32x128xf32>
    %reduce_sum3A_133 = arith.constant dense<0.000000e+00> : vector<1xf32>
    %reduce_sum3A_134 = vector.multi_reduction <add>, %reduce_sum3A_132, %reduce_sum3A_133 [1, 2] : vector<1x32x128xf32> to vector<1xf32>
    %reduce_sum3A_135 = vector.shape_cast %reduce_sum3A_134 : vector<1xf32> to vector<1x1x1xf32>
    %reduce_sum3A_136 = vector.extract %reduce_sum3A_135[0, 0, 0] : f32 from vector<1x1x1xf32>
    %convert_element_type3A_137 = arith.fptosi %reduce_sum3A_136 : f32 to i32
    %lt3A_138 = vector.broadcast %convert_element_type3A_137 : i32 to vector<32x128xi32>
    %lt3A_139 = arith.cmpi slt, %add3A, %lt3A_138 : vector<32x128xi32>
    %shift_right_logical3A_140 = arith.constant 6 : i32
    %shift_right_logical3A_141 = vector.broadcast %shift_right_logical3A_140 : i32 to vector<32x128xi32>
    %shift_right_logical3A_142 = arith.shrui %convert_element_type3A, %shift_right_logical3A_141 : vector<32x128xi32>
    %and3A_143 = arith.constant 1 : i32
    %and3A_144 = vector.broadcast %and3A_143 : i32 to vector<32x128xi32>
    %and3A_145 = arith.andi %shift_right_logical3A_142, %and3A_144 : vector<32x128xi32>
    %shift_right_logical3A_146 = arith.constant 7 : i32
    %shift_right_logical3A_147 = vector.broadcast %shift_right_logical3A_146 : i32 to vector<32x128xi32>
    %shift_right_logical3A_148 = arith.shrui %convert_element_type3A, %shift_right_logical3A_147 : vector<32x128xi32>
    %and3A_149 = arith.constant 1 : i32
    %and3A_150 = vector.broadcast %and3A_149 : i32 to vector<32x128xi32>
    %and3A_151 = arith.andi %shift_right_logical3A_148, %and3A_150 : vector<32x128xi32>
    %convert_element_type3A_152 = arith.extui %lt3A_139 : vector<32x128xi1> to vector<32x128xi32>
    %sub3A_153 = arith.constant 1 : i32
    %sub3A_154 = vector.broadcast %sub3A_153 : i32 to vector<32x128xi32>
    %sub3A_155 = arith.subi %sub3A_154, %and3A_145 : vector<32x128xi32>
    %mul3A_156 = arith.muli %convert_element_type3A_152, %sub3A_155 : vector<32x128xi32>
    %sub3A_157 = arith.constant 1 : i32
    %sub3A_158 = vector.broadcast %sub3A_157 : i32 to vector<32x128xi32>
    %sub3A_159 = arith.subi %sub3A_158, %and3A_151 : vector<32x128xi32>
    %mul3A_160 = arith.muli %mul3A_156, %sub3A_159 : vector<32x128xi32>
    %add3A_161 = arith.addi %add3A_121, %and3A_145 : vector<32x128xi32>
    %add3A_162 = arith.addi %add3A_122, %mul3A_160 : vector<32x128xi32>
    %add3A_163 = arith.addi %add3A_123, %and3A_151 : vector<32x128xi32>
    %add3A_164 = arith.addi %and3A_145, %and3A_151 : vector<32x128xi32>
    %add3A_165 = arith.addi %add3A_164, %mul3A_160 : vector<32x128xi32>
    %convert_element_type3A_166 = arith.sitofp %add3A_165 : vector<32x128xi32> to vector<32x128xf32>
    %eq3A_167 = arith.constant 4 : i32
    %eq3A_168 = vector.broadcast %eq3A_167 : i32 to vector<32x128xi32>
    %eq3A_169 = arith.cmpi eq, %get3A_7, %eq3A_168 : vector<32x128xi32>
    %convert_element_type3A_170 = arith.extui %eq3A_169 : vector<32x128xi1> to vector<32x128xi32>
    %convert_element_type3A_171 = arith.sitofp %convert_element_type3A_170 : vector<32x128xi32> to vector<32x128xf32>
    %reduce_sum3A_172 = vector.shape_cast %convert_element_type3A_171 : vector<32x128xf32> to vector<1x32x128xf32>
    %reduce_sum3A_173 = arith.constant dense<0.000000e+00> : vector<1xf32>
    %reduce_sum3A_174 = vector.multi_reduction <add>, %reduce_sum3A_172, %reduce_sum3A_173 [1, 2] : vector<1x32x128xf32> to vector<1xf32>
    %reduce_sum3A_175 = vector.shape_cast %reduce_sum3A_174 : vector<1xf32> to vector<1x1x1xf32>
    %reduce_sum3A_176 = vector.extract %reduce_sum3A_175[0, 0, 0] : f32 from vector<1x1x1xf32>
    %convert_element_type3A_177 = arith.fptosi %reduce_sum3A_176 : f32 to i32
    %lt3A_178 = vector.broadcast %convert_element_type3A_177 : i32 to vector<32x128xi32>
    %lt3A_179 = arith.cmpi slt, %add3A, %lt3A_178 : vector<32x128xi32>
    %shift_right_logical3A_180 = arith.constant 8 : i32
    %shift_right_logical3A_181 = vector.broadcast %shift_right_logical3A_180 : i32 to vector<32x128xi32>
    %shift_right_logical3A_182 = arith.shrui %convert_element_type3A, %shift_right_logical3A_181 : vector<32x128xi32>
    %and3A_183 = arith.constant 1 : i32
    %and3A_184 = vector.broadcast %and3A_183 : i32 to vector<32x128xi32>
    %and3A_185 = arith.andi %shift_right_logical3A_182, %and3A_184 : vector<32x128xi32>
    %shift_right_logical3A_186 = arith.constant 9 : i32
    %shift_right_logical3A_187 = vector.broadcast %shift_right_logical3A_186 : i32 to vector<32x128xi32>
    %shift_right_logical3A_188 = arith.shrui %convert_element_type3A, %shift_right_logical3A_187 : vector<32x128xi32>
    %and3A_189 = arith.constant 1 : i32
    %and3A_190 = vector.broadcast %and3A_189 : i32 to vector<32x128xi32>
    %and3A_191 = arith.andi %shift_right_logical3A_188, %and3A_190 : vector<32x128xi32>
    %convert_element_type3A_192 = arith.extui %lt3A_179 : vector<32x128xi1> to vector<32x128xi32>
    %sub3A_193 = arith.constant 1 : i32
    %sub3A_194 = vector.broadcast %sub3A_193 : i32 to vector<32x128xi32>
    %sub3A_195 = arith.subi %sub3A_194, %and3A_185 : vector<32x128xi32>
    %mul3A_196 = arith.muli %convert_element_type3A_192, %sub3A_195 : vector<32x128xi32>
    %sub3A_197 = arith.constant 1 : i32
    %sub3A_198 = vector.broadcast %sub3A_197 : i32 to vector<32x128xi32>
    %sub3A_199 = arith.subi %sub3A_198, %and3A_191 : vector<32x128xi32>
    %mul3A_200 = arith.muli %mul3A_196, %sub3A_199 : vector<32x128xi32>
    %add3A_201 = arith.addi %add3A_161, %and3A_185 : vector<32x128xi32>
    %add3A_202 = arith.addi %add3A_162, %mul3A_200 : vector<32x128xi32>
    %add3A_203 = arith.addi %add3A_163, %and3A_191 : vector<32x128xi32>
    %add3A_204 = arith.addi %and3A_185, %and3A_191 : vector<32x128xi32>
    %add3A_205 = arith.addi %add3A_204, %mul3A_200 : vector<32x128xi32>
    %convert_element_type3A_206 = arith.sitofp %add3A_205 : vector<32x128xi32> to vector<32x128xf32>
    %eq3A_207 = arith.constant 5 : i32
    %eq3A_208 = vector.broadcast %eq3A_207 : i32 to vector<32x128xi32>
    %eq3A_209 = arith.cmpi eq, %get3A_7, %eq3A_208 : vector<32x128xi32>
    %convert_element_type3A_210 = arith.extui %eq3A_209 : vector<32x128xi1> to vector<32x128xi32>
    %convert_element_type3A_211 = arith.sitofp %convert_element_type3A_210 : vector<32x128xi32> to vector<32x128xf32>
    %reduce_sum3A_212 = vector.shape_cast %convert_element_type3A_211 : vector<32x128xf32> to vector<1x32x128xf32>
    %reduce_sum3A_213 = arith.constant dense<0.000000e+00> : vector<1xf32>
    %reduce_sum3A_214 = vector.multi_reduction <add>, %reduce_sum3A_212, %reduce_sum3A_213 [1, 2] : vector<1x32x128xf32> to vector<1xf32>
    %reduce_sum3A_215 = vector.shape_cast %reduce_sum3A_214 : vector<1xf32> to vector<1x1x1xf32>
    %reduce_sum3A_216 = vector.extract %reduce_sum3A_215[0, 0, 0] : f32 from vector<1x1x1xf32>
    %convert_element_type3A_217 = arith.fptosi %reduce_sum3A_216 : f32 to i32
    %lt3A_218 = vector.broadcast %convert_element_type3A_217 : i32 to vector<32x128xi32>
    %lt3A_219 = arith.cmpi slt, %add3A, %lt3A_218 : vector<32x128xi32>
    %shift_right_logical3A_220 = arith.constant 10 : i32
    %shift_right_logical3A_221 = vector.broadcast %shift_right_logical3A_220 : i32 to vector<32x128xi32>
    %shift_right_logical3A_222 = arith.shrui %convert_element_type3A, %shift_right_logical3A_221 : vector<32x128xi32>
    %and3A_223 = arith.constant 1 : i32
    %and3A_224 = vector.broadcast %and3A_223 : i32 to vector<32x128xi32>
    %and3A_225 = arith.andi %shift_right_logical3A_222, %and3A_224 : vector<32x128xi32>
    %shift_right_logical3A_226 = arith.constant 11 : i32
    %shift_right_logical3A_227 = vector.broadcast %shift_right_logical3A_226 : i32 to vector<32x128xi32>
    %shift_right_logical3A_228 = arith.shrui %convert_element_type3A, %shift_right_logical3A_227 : vector<32x128xi32>
    %and3A_229 = arith.constant 1 : i32
    %and3A_230 = vector.broadcast %and3A_229 : i32 to vector<32x128xi32>
    %and3A_231 = arith.andi %shift_right_logical3A_228, %and3A_230 : vector<32x128xi32>
    %convert_element_type3A_232 = arith.extui %lt3A_219 : vector<32x128xi1> to vector<32x128xi32>
    %sub3A_233 = arith.constant 1 : i32
    %sub3A_234 = vector.broadcast %sub3A_233 : i32 to vector<32x128xi32>
    %sub3A_235 = arith.subi %sub3A_234, %and3A_225 : vector<32x128xi32>
    %mul3A_236 = arith.muli %convert_element_type3A_232, %sub3A_235 : vector<32x128xi32>
    %sub3A_237 = arith.constant 1 : i32
    %sub3A_238 = vector.broadcast %sub3A_237 : i32 to vector<32x128xi32>
    %sub3A_239 = arith.subi %sub3A_238, %and3A_231 : vector<32x128xi32>
    %mul3A_240 = arith.muli %mul3A_236, %sub3A_239 : vector<32x128xi32>
    %add3A_241 = arith.addi %add3A_201, %and3A_225 : vector<32x128xi32>
    %add3A_242 = arith.addi %add3A_202, %mul3A_240 : vector<32x128xi32>
    %add3A_243 = arith.addi %add3A_203, %and3A_231 : vector<32x128xi32>
    %add3A_244 = arith.addi %and3A_225, %and3A_231 : vector<32x128xi32>
    %add3A_245 = arith.addi %add3A_244, %mul3A_240 : vector<32x128xi32>
    %convert_element_type3A_246 = arith.sitofp %add3A_245 : vector<32x128xi32> to vector<32x128xf32>
    %eq3A_247 = arith.constant 6 : i32
    %eq3A_248 = vector.broadcast %eq3A_247 : i32 to vector<32x128xi32>
    %eq3A_249 = arith.cmpi eq, %get3A_7, %eq3A_248 : vector<32x128xi32>
    %convert_element_type3A_250 = arith.extui %eq3A_249 : vector<32x128xi1> to vector<32x128xi32>
    %convert_element_type3A_251 = arith.sitofp %convert_element_type3A_250 : vector<32x128xi32> to vector<32x128xf32>
    %reduce_sum3A_252 = vector.shape_cast %convert_element_type3A_251 : vector<32x128xf32> to vector<1x32x128xf32>
    %reduce_sum3A_253 = arith.constant dense<0.000000e+00> : vector<1xf32>
    %reduce_sum3A_254 = vector.multi_reduction <add>, %reduce_sum3A_252, %reduce_sum3A_253 [1, 2] : vector<1x32x128xf32> to vector<1xf32>
    %reduce_sum3A_255 = vector.shape_cast %reduce_sum3A_254 : vector<1xf32> to vector<1x1x1xf32>
    %reduce_sum3A_256 = vector.extract %reduce_sum3A_255[0, 0, 0] : f32 from vector<1x1x1xf32>
    %convert_element_type3A_257 = arith.fptosi %reduce_sum3A_256 : f32 to i32
    %lt3A_258 = vector.broadcast %convert_element_type3A_257 : i32 to vector<32x128xi32>
    %lt3A_259 = arith.cmpi slt, %add3A, %lt3A_258 : vector<32x128xi32>
    %shift_right_logical3A_260 = arith.constant 12 : i32
    %shift_right_logical3A_261 = vector.broadcast %shift_right_logical3A_260 : i32 to vector<32x128xi32>
    %shift_right_logical3A_262 = arith.shrui %convert_element_type3A, %shift_right_logical3A_261 : vector<32x128xi32>
    %and3A_263 = arith.constant 1 : i32
    %and3A_264 = vector.broadcast %and3A_263 : i32 to vector<32x128xi32>
    %and3A_265 = arith.andi %shift_right_logical3A_262, %and3A_264 : vector<32x128xi32>
    %shift_right_logical3A_266 = arith.constant 13 : i32
    %shift_right_logical3A_267 = vector.broadcast %shift_right_logical3A_266 : i32 to vector<32x128xi32>
    %shift_right_logical3A_268 = arith.shrui %convert_element_type3A, %shift_right_logical3A_267 : vector<32x128xi32>
    %and3A_269 = arith.constant 1 : i32
    %and3A_270 = vector.broadcast %and3A_269 : i32 to vector<32x128xi32>
    %and3A_271 = arith.andi %shift_right_logical3A_268, %and3A_270 : vector<32x128xi32>
    %convert_element_type3A_272 = arith.extui %lt3A_259 : vector<32x128xi1> to vector<32x128xi32>
    %sub3A_273 = arith.constant 1 : i32
    %sub3A_274 = vector.broadcast %sub3A_273 : i32 to vector<32x128xi32>
    %sub3A_275 = arith.subi %sub3A_274, %and3A_265 : vector<32x128xi32>
    %mul3A_276 = arith.muli %convert_element_type3A_272, %sub3A_275 : vector<32x128xi32>
    %sub3A_277 = arith.constant 1 : i32
    %sub3A_278 = vector.broadcast %sub3A_277 : i32 to vector<32x128xi32>
    %sub3A_279 = arith.subi %sub3A_278, %and3A_271 : vector<32x128xi32>
    %mul3A_280 = arith.muli %mul3A_276, %sub3A_279 : vector<32x128xi32>
    %add3A_281 = arith.addi %add3A_241, %and3A_265 : vector<32x128xi32>
    %add3A_282 = arith.addi %add3A_242, %mul3A_280 : vector<32x128xi32>
    %add3A_283 = arith.addi %add3A_243, %and3A_271 : vector<32x128xi32>
    %add3A_284 = arith.addi %and3A_265, %and3A_271 : vector<32x128xi32>
    %add3A_285 = arith.addi %add3A_284, %mul3A_280 : vector<32x128xi32>
    %convert_element_type3A_286 = arith.sitofp %add3A_285 : vector<32x128xi32> to vector<32x128xf32>
    %eq3A_287 = arith.constant 7 : i32
    %eq3A_288 = vector.broadcast %eq3A_287 : i32 to vector<32x128xi32>
    %eq3A_289 = arith.cmpi eq, %get3A_7, %eq3A_288 : vector<32x128xi32>
    %convert_element_type3A_290 = arith.extui %eq3A_289 : vector<32x128xi1> to vector<32x128xi32>
    %convert_element_type3A_291 = arith.sitofp %convert_element_type3A_290 : vector<32x128xi32> to vector<32x128xf32>
    %reduce_sum3A_292 = vector.shape_cast %convert_element_type3A_291 : vector<32x128xf32> to vector<1x32x128xf32>
    %reduce_sum3A_293 = arith.constant dense<0.000000e+00> : vector<1xf32>
    %reduce_sum3A_294 = vector.multi_reduction <add>, %reduce_sum3A_292, %reduce_sum3A_293 [1, 2] : vector<1x32x128xf32> to vector<1xf32>
    %reduce_sum3A_295 = vector.shape_cast %reduce_sum3A_294 : vector<1xf32> to vector<1x1x1xf32>
    %reduce_sum3A_296 = vector.extract %reduce_sum3A_295[0, 0, 0] : f32 from vector<1x1x1xf32>
    %convert_element_type3A_297 = arith.fptosi %reduce_sum3A_296 : f32 to i32
    %lt3A_298 = vector.broadcast %convert_element_type3A_297 : i32 to vector<32x128xi32>
    %lt3A_299 = arith.cmpi slt, %add3A, %lt3A_298 : vector<32x128xi32>
    %shift_right_logical3A_300 = arith.constant 14 : i32
    %shift_right_logical3A_301 = vector.broadcast %shift_right_logical3A_300 : i32 to vector<32x128xi32>
    %shift_right_logical3A_302 = arith.shrui %convert_element_type3A, %shift_right_logical3A_301 : vector<32x128xi32>
    %and3A_303 = arith.constant 1 : i32
    %and3A_304 = vector.broadcast %and3A_303 : i32 to vector<32x128xi32>
    %and3A_305 = arith.andi %shift_right_logical3A_302, %and3A_304 : vector<32x128xi32>
    %shift_right_logical3A_306 = arith.constant 15 : i32
    %shift_right_logical3A_307 = vector.broadcast %shift_right_logical3A_306 : i32 to vector<32x128xi32>
    %shift_right_logical3A_308 = arith.shrui %convert_element_type3A, %shift_right_logical3A_307 : vector<32x128xi32>
    %and3A_309 = arith.constant 1 : i32
    %and3A_310 = vector.broadcast %and3A_309 : i32 to vector<32x128xi32>
    %and3A_311 = arith.andi %shift_right_logical3A_308, %and3A_310 : vector<32x128xi32>
    %convert_element_type3A_312 = arith.extui %lt3A_299 : vector<32x128xi1> to vector<32x128xi32>
    %sub3A_313 = arith.constant 1 : i32
    %sub3A_314 = vector.broadcast %sub3A_313 : i32 to vector<32x128xi32>
    %sub3A_315 = arith.subi %sub3A_314, %and3A_305 : vector<32x128xi32>
    %mul3A_316 = arith.muli %convert_element_type3A_312, %sub3A_315 : vector<32x128xi32>
    %sub3A_317 = arith.constant 1 : i32
    %sub3A_318 = vector.broadcast %sub3A_317 : i32 to vector<32x128xi32>
    %sub3A_319 = arith.subi %sub3A_318, %and3A_311 : vector<32x128xi32>
    %mul3A_320 = arith.muli %mul3A_316, %sub3A_319 : vector<32x128xi32>
    %add3A_321 = arith.addi %add3A_281, %and3A_305 : vector<32x128xi32>
    %add3A_322 = arith.addi %add3A_282, %mul3A_320 : vector<32x128xi32>
    %add3A_323 = arith.addi %add3A_283, %and3A_311 : vector<32x128xi32>
    %add3A_324 = arith.addi %and3A_305, %and3A_311 : vector<32x128xi32>
    %add3A_325 = arith.addi %add3A_324, %mul3A_320 : vector<32x128xi32>
    %convert_element_type3A_326 = arith.sitofp %add3A_325 : vector<32x128xi32> to vector<32x128xf32>
    %gt3A = arith.constant 0 : i32
    %gt3A_327 = vector.broadcast %gt3A : i32 to vector<32x128xi32>
    %gt3A_328 = arith.cmpi sgt, %add3A_321, %gt3A_327 : vector<32x128xi32>
    %get3A_329 = arith.constant 0 : index
    %get3A_330 = arith.constant 0 : index
    %get3A_331 = vector.load %arg2[%get3A_329, %get3A_330] : memref<32x128xf32, #tpu.memory_space<vmem>>, vector<32x128xf32>
    %broadcast_in_dim3A_332 = arith.constant 0.000000e+00 : f32
    %broadcast_in_dim3A_333 = vector.broadcast %broadcast_in_dim3A_332 : f32 to vector<32x128xf32>
    %select_n3A = arith.select %gt3A_328, %get3A_331, %broadcast_in_dim3A_333 : vector<32x128xi1>, vector<32x128xf32>
    %gt3A_334 = arith.constant 0 : i32
    %gt3A_335 = vector.broadcast %gt3A_334 : i32 to vector<32x128xi32>
    %gt3A_336 = arith.cmpi sgt, %add3A_322, %gt3A_335 : vector<32x128xi32>
    %get3A_337 = arith.constant 0 : index
    %get3A_338 = arith.constant 0 : index
    %get3A_339 = vector.load %arg3[%get3A_337, %get3A_338] : memref<32x128xf32, #tpu.memory_space<vmem>>, vector<32x128xf32>
    %select_n3A_340 = arith.select %gt3A_336, %get3A_339, %select_n3A : vector<32x128xi1>, vector<32x128xf32>
    %gt3A_341 = arith.constant 0 : i32
    %gt3A_342 = vector.broadcast %gt3A_341 : i32 to vector<32x128xi32>
    %gt3A_343 = arith.cmpi sgt, %add3A_323, %gt3A_342 : vector<32x128xi32>
    %get3A_344 = arith.constant 0 : index
    %get3A_345 = arith.constant 0 : index
    %get3A_346 = vector.load %arg4[%get3A_344, %get3A_345] : memref<32x128xf32, #tpu.memory_space<vmem>>, vector<32x128xf32>
    %select_n3A_347 = arith.select %gt3A_343, %get3A_346, %select_n3A_340 : vector<32x128xi1>, vector<32x128xf32>
    %broadcast_in_dim3A_348 = arith.constant 0.000000e+00 : f32
    %broadcast_in_dim3A_349 = vector.broadcast %broadcast_in_dim3A_348 : f32 to vector<32x128xf32>
    %jit3A = arith.constant 0xFF800000 : f32
    %broadcast_in_dim3A_350 = vector.broadcast %jit3A : f32 to vector<32x128xf32>
    %select_n3A_351 = arith.select %lt3A_22, %select_n3A_347, %broadcast_in_dim3A_350 : vector<32x128xi1>, vector<32x128xf32>
    %reduce_max3A = vector.shape_cast %select_n3A_351 : vector<32x128xf32> to vector<1x32x128xf32>
    %reduce_max3A_352 = arith.constant dense<0xFF800000> : vector<1xf32>
    %reduce_max3A_353 = vector.multi_reduction <maximumf>, %reduce_max3A, %reduce_max3A_352 [1, 2] : vector<1x32x128xf32> to vector<1xf32>
    %reduce_max3A_354 = vector.shape_cast %reduce_max3A_353 : vector<1xf32> to vector<1x1x1xf32>
    %reduce_max3A_355 = vector.extract %reduce_max3A_354[0, 0, 0] : f32 from vector<1x1x1xf32>
    %sub3A_356 = vector.broadcast %reduce_max3A_355 : f32 to vector<32x128xf32>
    %sub3A_357 = arith.subf %select_n3A_347, %sub3A_356 : vector<32x128xf32>
    %exp3A = math.exp %sub3A_357 : vector<32x128xf32>
    %mul3A_358 = arith.mulf %exp3A, %convert_element_type3A_46 : vector<32x128xf32>
    %jit3A_359 = arith.constant 0.000000e+00 : f32
    %broadcast_in_dim3A_360 = vector.broadcast %jit3A_359 : f32 to vector<32x128xf32>
    %select_n3A_361 = arith.select %lt3A_22, %mul3A_358, %broadcast_in_dim3A_360 : vector<32x128xi1>, vector<32x128xf32>
    %reduce_sum3A_362 = vector.shape_cast %select_n3A_361 : vector<32x128xf32> to vector<1x32x128xf32>
    %reduce_sum3A_363 = arith.constant dense<0.000000e+00> : vector<1xf32>
    %reduce_sum3A_364 = vector.multi_reduction <add>, %reduce_sum3A_362, %reduce_sum3A_363 [1, 2] : vector<1x32x128xf32> to vector<1xf32>
    %reduce_sum3A_365 = vector.shape_cast %reduce_sum3A_364 : vector<1xf32> to vector<1x1x1xf32>
    %reduce_sum3A_366 = vector.extract %reduce_sum3A_365[0, 0, 0] : f32 from vector<1x1x1xf32>
    %div3A = vector.broadcast %reduce_sum3A_366 : f32 to vector<32x128xf32>
    %div3A_367 = arith.divf %exp3A, %div3A : vector<32x128xf32>
    %select_n3A_368 = arith.select %lt3A_22, %div3A_367, %broadcast_in_dim3A_349 : vector<32x128xi1>, vector<32x128xf32>
    %jit3A_369 = arith.constant 0xFF800000 : f32
    %broadcast_in_dim3A_370 = vector.broadcast %jit3A_369 : f32 to vector<32x128xf32>
    %select_n3A_371 = arith.select %lt3A_59, %select_n3A_347, %broadcast_in_dim3A_370 : vector<32x128xi1>, vector<32x128xf32>
    %reduce_max3A_372 = vector.shape_cast %select_n3A_371 : vector<32x128xf32> to vector<1x32x128xf32>
    %reduce_max3A_373 = arith.constant dense<0xFF800000> : vector<1xf32>
    %reduce_max3A_374 = vector.multi_reduction <maximumf>, %reduce_max3A_372, %reduce_max3A_373 [1, 2] : vector<1x32x128xf32> to vector<1xf32>
    %reduce_max3A_375 = vector.shape_cast %reduce_max3A_374 : vector<1xf32> to vector<1x1x1xf32>
    %reduce_max3A_376 = vector.extract %reduce_max3A_375[0, 0, 0] : f32 from vector<1x1x1xf32>
    %sub3A_377 = vector.broadcast %reduce_max3A_376 : f32 to vector<32x128xf32>
    %sub3A_378 = arith.subf %select_n3A_347, %sub3A_377 : vector<32x128xf32>
    %exp3A_379 = math.exp %sub3A_378 : vector<32x128xf32>
    %mul3A_380 = arith.mulf %exp3A_379, %convert_element_type3A_86 : vector<32x128xf32>
    %jit3A_381 = arith.constant 0.000000e+00 : f32
    %broadcast_in_dim3A_382 = vector.broadcast %jit3A_381 : f32 to vector<32x128xf32>
    %select_n3A_383 = arith.select %lt3A_59, %mul3A_380, %broadcast_in_dim3A_382 : vector<32x128xi1>, vector<32x128xf32>
    %reduce_sum3A_384 = vector.shape_cast %select_n3A_383 : vector<32x128xf32> to vector<1x32x128xf32>
    %reduce_sum3A_385 = arith.constant dense<0.000000e+00> : vector<1xf32>
    %reduce_sum3A_386 = vector.multi_reduction <add>, %reduce_sum3A_384, %reduce_sum3A_385 [1, 2] : vector<1x32x128xf32> to vector<1xf32>
    %reduce_sum3A_387 = vector.shape_cast %reduce_sum3A_386 : vector<1xf32> to vector<1x1x1xf32>
    %reduce_sum3A_388 = vector.extract %reduce_sum3A_387[0, 0, 0] : f32 from vector<1x1x1xf32>
    %div3A_389 = vector.broadcast %reduce_sum3A_388 : f32 to vector<32x128xf32>
    %div3A_390 = arith.divf %exp3A_379, %div3A_389 : vector<32x128xf32>
    %select_n3A_391 = arith.select %lt3A_59, %div3A_390, %select_n3A_368 : vector<32x128xi1>, vector<32x128xf32>
    %jit3A_392 = arith.constant 0xFF800000 : f32
    %broadcast_in_dim3A_393 = vector.broadcast %jit3A_392 : f32 to vector<32x128xf32>
    %select_n3A_394 = arith.select %lt3A_99, %select_n3A_347, %broadcast_in_dim3A_393 : vector<32x128xi1>, vector<32x128xf32>
    %reduce_max3A_395 = vector.shape_cast %select_n3A_394 : vector<32x128xf32> to vector<1x32x128xf32>
    %reduce_max3A_396 = arith.constant dense<0xFF800000> : vector<1xf32>
    %reduce_max3A_397 = vector.multi_reduction <maximumf>, %reduce_max3A_395, %reduce_max3A_396 [1, 2] : vector<1x32x128xf32> to vector<1xf32>
    %reduce_max3A_398 = vector.shape_cast %reduce_max3A_397 : vector<1xf32> to vector<1x1x1xf32>
    %reduce_max3A_399 = vector.extract %reduce_max3A_398[0, 0, 0] : f32 from vector<1x1x1xf32>
    %sub3A_400 = vector.broadcast %reduce_max3A_399 : f32 to vector<32x128xf32>
    %sub3A_401 = arith.subf %select_n3A_347, %sub3A_400 : vector<32x128xf32>
    %exp3A_402 = math.exp %sub3A_401 : vector<32x128xf32>
    %mul3A_403 = arith.mulf %exp3A_402, %convert_element_type3A_126 : vector<32x128xf32>
    %jit3A_404 = arith.constant 0.000000e+00 : f32
    %broadcast_in_dim3A_405 = vector.broadcast %jit3A_404 : f32 to vector<32x128xf32>
    %select_n3A_406 = arith.select %lt3A_99, %mul3A_403, %broadcast_in_dim3A_405 : vector<32x128xi1>, vector<32x128xf32>
    %reduce_sum3A_407 = vector.shape_cast %select_n3A_406 : vector<32x128xf32> to vector<1x32x128xf32>
    %reduce_sum3A_408 = arith.constant dense<0.000000e+00> : vector<1xf32>
    %reduce_sum3A_409 = vector.multi_reduction <add>, %reduce_sum3A_407, %reduce_sum3A_408 [1, 2] : vector<1x32x128xf32> to vector<1xf32>
    %reduce_sum3A_410 = vector.shape_cast %reduce_sum3A_409 : vector<1xf32> to vector<1x1x1xf32>
    %reduce_sum3A_411 = vector.extract %reduce_sum3A_410[0, 0, 0] : f32 from vector<1x1x1xf32>
    %div3A_412 = vector.broadcast %reduce_sum3A_411 : f32 to vector<32x128xf32>
    %div3A_413 = arith.divf %exp3A_402, %div3A_412 : vector<32x128xf32>
    %select_n3A_414 = arith.select %lt3A_99, %div3A_413, %select_n3A_391 : vector<32x128xi1>, vector<32x128xf32>
    %jit3A_415 = arith.constant 0xFF800000 : f32
    %broadcast_in_dim3A_416 = vector.broadcast %jit3A_415 : f32 to vector<32x128xf32>
    %select_n3A_417 = arith.select %lt3A_139, %select_n3A_347, %broadcast_in_dim3A_416 : vector<32x128xi1>, vector<32x128xf32>
    %reduce_max3A_418 = vector.shape_cast %select_n3A_417 : vector<32x128xf32> to vector<1x32x128xf32>
    %reduce_max3A_419 = arith.constant dense<0xFF800000> : vector<1xf32>
    %reduce_max3A_420 = vector.multi_reduction <maximumf>, %reduce_max3A_418, %reduce_max3A_419 [1, 2] : vector<1x32x128xf32> to vector<1xf32>
    %reduce_max3A_421 = vector.shape_cast %reduce_max3A_420 : vector<1xf32> to vector<1x1x1xf32>
    %reduce_max3A_422 = vector.extract %reduce_max3A_421[0, 0, 0] : f32 from vector<1x1x1xf32>
    %sub3A_423 = vector.broadcast %reduce_max3A_422 : f32 to vector<32x128xf32>
    %sub3A_424 = arith.subf %select_n3A_347, %sub3A_423 : vector<32x128xf32>
    %exp3A_425 = math.exp %sub3A_424 : vector<32x128xf32>
    %mul3A_426 = arith.mulf %exp3A_425, %convert_element_type3A_166 : vector<32x128xf32>
    %jit3A_427 = arith.constant 0.000000e+00 : f32
    %broadcast_in_dim3A_428 = vector.broadcast %jit3A_427 : f32 to vector<32x128xf32>
    %select_n3A_429 = arith.select %lt3A_139, %mul3A_426, %broadcast_in_dim3A_428 : vector<32x128xi1>, vector<32x128xf32>
    %reduce_sum3A_430 = vector.shape_cast %select_n3A_429 : vector<32x128xf32> to vector<1x32x128xf32>
    %reduce_sum3A_431 = arith.constant dense<0.000000e+00> : vector<1xf32>
    %reduce_sum3A_432 = vector.multi_reduction <add>, %reduce_sum3A_430, %reduce_sum3A_431 [1, 2] : vector<1x32x128xf32> to vector<1xf32>
    %reduce_sum3A_433 = vector.shape_cast %reduce_sum3A_432 : vector<1xf32> to vector<1x1x1xf32>
    %reduce_sum3A_434 = vector.extract %reduce_sum3A_433[0, 0, 0] : f32 from vector<1x1x1xf32>
    %div3A_435 = vector.broadcast %reduce_sum3A_434 : f32 to vector<32x128xf32>
    %div3A_436 = arith.divf %exp3A_425, %div3A_435 : vector<32x128xf32>
    %select_n3A_437 = arith.select %lt3A_139, %div3A_436, %select_n3A_414 : vector<32x128xi1>, vector<32x128xf32>
    %jit3A_438 = arith.constant 0xFF800000 : f32
    %broadcast_in_dim3A_439 = vector.broadcast %jit3A_438 : f32 to vector<32x128xf32>
    %select_n3A_440 = arith.select %lt3A_179, %select_n3A_347, %broadcast_in_dim3A_439 : vector<32x128xi1>, vector<32x128xf32>
    %reduce_max3A_441 = vector.shape_cast %select_n3A_440 : vector<32x128xf32> to vector<1x32x128xf32>
    %reduce_max3A_442 = arith.constant dense<0xFF800000> : vector<1xf32>
    %reduce_max3A_443 = vector.multi_reduction <maximumf>, %reduce_max3A_441, %reduce_max3A_442 [1, 2] : vector<1x32x128xf32> to vector<1xf32>
    %reduce_max3A_444 = vector.shape_cast %reduce_max3A_443 : vector<1xf32> to vector<1x1x1xf32>
    %reduce_max3A_445 = vector.extract %reduce_max3A_444[0, 0, 0] : f32 from vector<1x1x1xf32>
    %sub3A_446 = vector.broadcast %reduce_max3A_445 : f32 to vector<32x128xf32>
    %sub3A_447 = arith.subf %select_n3A_347, %sub3A_446 : vector<32x128xf32>
    %exp3A_448 = math.exp %sub3A_447 : vector<32x128xf32>
    %mul3A_449 = arith.mulf %exp3A_448, %convert_element_type3A_206 : vector<32x128xf32>
    %jit3A_450 = arith.constant 0.000000e+00 : f32
    %broadcast_in_dim3A_451 = vector.broadcast %jit3A_450 : f32 to vector<32x128xf32>
    %select_n3A_452 = arith.select %lt3A_179, %mul3A_449, %broadcast_in_dim3A_451 : vector<32x128xi1>, vector<32x128xf32>
    %reduce_sum3A_453 = vector.shape_cast %select_n3A_452 : vector<32x128xf32> to vector<1x32x128xf32>
    %reduce_sum3A_454 = arith.constant dense<0.000000e+00> : vector<1xf32>
    %reduce_sum3A_455 = vector.multi_reduction <add>, %reduce_sum3A_453, %reduce_sum3A_454 [1, 2] : vector<1x32x128xf32> to vector<1xf32>
    %reduce_sum3A_456 = vector.shape_cast %reduce_sum3A_455 : vector<1xf32> to vector<1x1x1xf32>
    %reduce_sum3A_457 = vector.extract %reduce_sum3A_456[0, 0, 0] : f32 from vector<1x1x1xf32>
    %div3A_458 = vector.broadcast %reduce_sum3A_457 : f32 to vector<32x128xf32>
    %div3A_459 = arith.divf %exp3A_448, %div3A_458 : vector<32x128xf32>
    %select_n3A_460 = arith.select %lt3A_179, %div3A_459, %select_n3A_437 : vector<32x128xi1>, vector<32x128xf32>
    %jit3A_461 = arith.constant 0xFF800000 : f32
    %broadcast_in_dim3A_462 = vector.broadcast %jit3A_461 : f32 to vector<32x128xf32>
    %select_n3A_463 = arith.select %lt3A_219, %select_n3A_347, %broadcast_in_dim3A_462 : vector<32x128xi1>, vector<32x128xf32>
    %reduce_max3A_464 = vector.shape_cast %select_n3A_463 : vector<32x128xf32> to vector<1x32x128xf32>
    %reduce_max3A_465 = arith.constant dense<0xFF800000> : vector<1xf32>
    %reduce_max3A_466 = vector.multi_reduction <maximumf>, %reduce_max3A_464, %reduce_max3A_465 [1, 2] : vector<1x32x128xf32> to vector<1xf32>
    %reduce_max3A_467 = vector.shape_cast %reduce_max3A_466 : vector<1xf32> to vector<1x1x1xf32>
    %reduce_max3A_468 = vector.extract %reduce_max3A_467[0, 0, 0] : f32 from vector<1x1x1xf32>
    %sub3A_469 = vector.broadcast %reduce_max3A_468 : f32 to vector<32x128xf32>
    %sub3A_470 = arith.subf %select_n3A_347, %sub3A_469 : vector<32x128xf32>
    %exp3A_471 = math.exp %sub3A_470 : vector<32x128xf32>
    %mul3A_472 = arith.mulf %exp3A_471, %convert_element_type3A_246 : vector<32x128xf32>
    %jit3A_473 = arith.constant 0.000000e+00 : f32
    %broadcast_in_dim3A_474 = vector.broadcast %jit3A_473 : f32 to vector<32x128xf32>
    %select_n3A_475 = arith.select %lt3A_219, %mul3A_472, %broadcast_in_dim3A_474 : vector<32x128xi1>, vector<32x128xf32>
    %reduce_sum3A_476 = vector.shape_cast %select_n3A_475 : vector<32x128xf32> to vector<1x32x128xf32>
    %reduce_sum3A_477 = arith.constant dense<0.000000e+00> : vector<1xf32>
    %reduce_sum3A_478 = vector.multi_reduction <add>, %reduce_sum3A_476, %reduce_sum3A_477 [1, 2] : vector<1x32x128xf32> to vector<1xf32>
    %reduce_sum3A_479 = vector.shape_cast %reduce_sum3A_478 : vector<1xf32> to vector<1x1x1xf32>
    %reduce_sum3A_480 = vector.extract %reduce_sum3A_479[0, 0, 0] : f32 from vector<1x1x1xf32>
    %div3A_481 = vector.broadcast %reduce_sum3A_480 : f32 to vector<32x128xf32>
    %div3A_482 = arith.divf %exp3A_471, %div3A_481 : vector<32x128xf32>
    %select_n3A_483 = arith.select %lt3A_219, %div3A_482, %select_n3A_460 : vector<32x128xi1>, vector<32x128xf32>
    %jit3A_484 = arith.constant 0xFF800000 : f32
    %broadcast_in_dim3A_485 = vector.broadcast %jit3A_484 : f32 to vector<32x128xf32>
    %select_n3A_486 = arith.select %lt3A_259, %select_n3A_347, %broadcast_in_dim3A_485 : vector<32x128xi1>, vector<32x128xf32>
    %reduce_max3A_487 = vector.shape_cast %select_n3A_486 : vector<32x128xf32> to vector<1x32x128xf32>
    %reduce_max3A_488 = arith.constant dense<0xFF800000> : vector<1xf32>
    %reduce_max3A_489 = vector.multi_reduction <maximumf>, %reduce_max3A_487, %reduce_max3A_488 [1, 2] : vector<1x32x128xf32> to vector<1xf32>
    %reduce_max3A_490 = vector.shape_cast %reduce_max3A_489 : vector<1xf32> to vector<1x1x1xf32>
    %reduce_max3A_491 = vector.extract %reduce_max3A_490[0, 0, 0] : f32 from vector<1x1x1xf32>
    %sub3A_492 = vector.broadcast %reduce_max3A_491 : f32 to vector<32x128xf32>
    %sub3A_493 = arith.subf %select_n3A_347, %sub3A_492 : vector<32x128xf32>
    %exp3A_494 = math.exp %sub3A_493 : vector<32x128xf32>
    %mul3A_495 = arith.mulf %exp3A_494, %convert_element_type3A_286 : vector<32x128xf32>
    %jit3A_496 = arith.constant 0.000000e+00 : f32
    %broadcast_in_dim3A_497 = vector.broadcast %jit3A_496 : f32 to vector<32x128xf32>
    %select_n3A_498 = arith.select %lt3A_259, %mul3A_495, %broadcast_in_dim3A_497 : vector<32x128xi1>, vector<32x128xf32>
    %reduce_sum3A_499 = vector.shape_cast %select_n3A_498 : vector<32x128xf32> to vector<1x32x128xf32>
    %reduce_sum3A_500 = arith.constant dense<0.000000e+00> : vector<1xf32>
    %reduce_sum3A_501 = vector.multi_reduction <add>, %reduce_sum3A_499, %reduce_sum3A_500 [1, 2] : vector<1x32x128xf32> to vector<1xf32>
    %reduce_sum3A_502 = vector.shape_cast %reduce_sum3A_501 : vector<1xf32> to vector<1x1x1xf32>
    %reduce_sum3A_503 = vector.extract %reduce_sum3A_502[0, 0, 0] : f32 from vector<1x1x1xf32>
    %div3A_504 = vector.broadcast %reduce_sum3A_503 : f32 to vector<32x128xf32>
    %div3A_505 = arith.divf %exp3A_494, %div3A_504 : vector<32x128xf32>
    %select_n3A_506 = arith.select %lt3A_259, %div3A_505, %select_n3A_483 : vector<32x128xi1>, vector<32x128xf32>
    %jit3A_507 = arith.constant 0xFF800000 : f32
    %broadcast_in_dim3A_508 = vector.broadcast %jit3A_507 : f32 to vector<32x128xf32>
    %select_n3A_509 = arith.select %lt3A_299, %select_n3A_347, %broadcast_in_dim3A_508 : vector<32x128xi1>, vector<32x128xf32>
    %reduce_max3A_510 = vector.shape_cast %select_n3A_509 : vector<32x128xf32> to vector<1x32x128xf32>
    %reduce_max3A_511 = arith.constant dense<0xFF800000> : vector<1xf32>
    %reduce_max3A_512 = vector.multi_reduction <maximumf>, %reduce_max3A_510, %reduce_max3A_511 [1, 2] : vector<1x32x128xf32> to vector<1xf32>
    %reduce_max3A_513 = vector.shape_cast %reduce_max3A_512 : vector<1xf32> to vector<1x1x1xf32>
    %reduce_max3A_514 = vector.extract %reduce_max3A_513[0, 0, 0] : f32 from vector<1x1x1xf32>
    %sub3A_515 = vector.broadcast %reduce_max3A_514 : f32 to vector<32x128xf32>
    %sub3A_516 = arith.subf %select_n3A_347, %sub3A_515 : vector<32x128xf32>
    %exp3A_517 = math.exp %sub3A_516 : vector<32x128xf32>
    %mul3A_518 = arith.mulf %exp3A_517, %convert_element_type3A_326 : vector<32x128xf32>
    %jit3A_519 = arith.constant 0.000000e+00 : f32
    %broadcast_in_dim3A_520 = vector.broadcast %jit3A_519 : f32 to vector<32x128xf32>
    %select_n3A_521 = arith.select %lt3A_299, %mul3A_518, %broadcast_in_dim3A_520 : vector<32x128xi1>, vector<32x128xf32>
    %reduce_sum3A_522 = vector.shape_cast %select_n3A_521 : vector<32x128xf32> to vector<1x32x128xf32>
    %reduce_sum3A_523 = arith.constant dense<0.000000e+00> : vector<1xf32>
    %reduce_sum3A_524 = vector.multi_reduction <add>, %reduce_sum3A_522, %reduce_sum3A_523 [1, 2] : vector<1x32x128xf32> to vector<1xf32>
    %reduce_sum3A_525 = vector.shape_cast %reduce_sum3A_524 : vector<1xf32> to vector<1x1x1xf32>
    %reduce_sum3A_526 = vector.extract %reduce_sum3A_525[0, 0, 0] : f32 from vector<1x1x1xf32>
    %div3A_527 = vector.broadcast %reduce_sum3A_526 : f32 to vector<32x128xf32>
    %div3A_528 = arith.divf %exp3A_517, %div3A_527 : vector<32x128xf32>
    %select_n3A_529 = arith.select %lt3A_299, %div3A_528, %select_n3A_506 : vector<32x128xi1>, vector<32x128xf32>
    %swap3A = arith.constant 0 : index
    %swap3A_530 = arith.constant 0 : index
    %swap3A_531 = vector.load %arg7[%swap3A, %swap3A_530] : memref<32x128xf32, #tpu.memory_space<vmem>>, vector<32x128xf32>
    tpu.vector_store %arg7[%swap3A, %swap3A_530], %select_n3A_529 {strides = array<i32>} : memref<32x128xf32, #tpu.memory_space<vmem>>, vector<32x128xf32>,
    %get3A_532 = arith.constant 0 : index
    %get3A_533 = arith.constant 0 : index
    %get3A_534 = vector.load %arg0[%get3A_532, %get3A_533] : memref<32x128xf32, #tpu.memory_space<vmem>>, vector<32x128xf32>
    %mul3A_535 = arith.mulf %get3A_534, %select_n3A_529 : vector<32x128xf32>
    %swap3A_536 = arith.constant 0 : index
    %swap3A_537 = arith.constant 0 : index
    %swap3A_538 = vector.load %arg6[%swap3A_536, %swap3A_537] : memref<32x128xf32, #tpu.memory_space<vmem>>, vector<32x128xf32>
    tpu.vector_store %arg6[%swap3A_536, %swap3A_537], %mul3A_535 {strides = array<i32>} : memref<32x128xf32, #tpu.memory_space<vmem>>, vector<32x128xf32>,
    return
  }
}

</mosaic_0001>

<sc_bundles>
// kernel: sparse-core-data-format-call.cloned.1.call-start
scs
called_computation_lowered:
.L_overlay_start_0:
0x0: {  	s2 =	sld [smem:$0x3FD9]  }
0x1: {  	s3 =	sld [smem:$0x3FFE];
	_ =	sdelay $0x1  }
0x2: {  	s1 =	srdreg.scid  }
0x3: {  	s0 =	sand.u32 $0x1, s1  }
0x4: {  	s18 =	sshll.u32 s0, $0xA;
	s2 =	sadd.s32 s3, s2  }
0x5: {  	s2 =	sadd.s32 s2, s18  }
0x6: {  	[smem:$0x3FB3] =	sst s2  }
0x7: {  	_ = 	snop  }
0x8: {  	s2 =	sld [smem:$0x3FC9];
	(tm) =	ssettm $0x1  }
0x9: {  	s19 =	sld [smem:$0x3FFB];
	_ =	sdelay $0x3  }
0xa: {  	_ =	strace s19  }
0xb: {  	s3 =	sld [smem:$0x3FFC];
	_ =	sdelay $0x3  }
0xc: {  	_ =	strace s3  }
0xd: {  	s3 =	sld [smem:$0x3FFD];
	_ =	sdelay $0x3  }
0xe: {  	_ =	strace s3  }
0xf: {  	_ =	strace $0x8FFFFFFF  }
0x10: {  	s20 =	sld [smem:$0x3FDB];
	_ =	sdelay $0x1  }
0x11: {  	s4 =	simm.s32 $_scs_section_size  }
0x12: {  	s5 =	simm.s32 $_size__tile_overlayer_lowered;
	s6 =	simm.s32 $_tile_overlayer_lowered  }
0x13: {  	s23 =	simm.s32 $0x1BFF;
	s22 =	sshll.u32 s6, $0x1;
	s3 =	sadd.s32 s4, s20  }
0x14: {  	s7 =	simm.s32 $0x0;
	s21 =	sshll.u32 s5, $0x1;
	s5 =	sadd.s32 s22, s3  }
0x15: {  	[timem:s7], [sflag:s23] =	dma.local [hbm:s5], s21  }
0x16: {  	_ =	swait.ge [sflag:s23], s21  }
0x17: {  	s4 =	ssub.s32 $0x0, s21;
	[sflag:s23] =	ssyncset.done $0x0  }
0x18: {  	[sflag:s23] =	ssyncadd.s32 s4;
	_ =	sdelay $0x1  }
0x19: {  	s24 =	simm.s32 $0x1B8B  }
0x1a: {  	_ =	swait.ge [sflag:s24], $0x1  }
0x1b: {  	[sflag:s24] =	ssyncset.done $0x0  }
0x1c: {  	s26 =	simm.s32 $0x1B8E;
	s25 =	sld [smem:$0x3FFE];
	[sflag:s24] =	ssyncadd.s32 $0xFFFFFFFF  }
0x1d: {  	s27 =	simm.s32 $execute0_lowered;
	[smem:$0x3FD2] =	sst s26  }
0x1e: {  	s5 =	sshll.u32 s27, $0x1;
	_ =	strace $0x80000046;
	[dreg:$0x1] =	wrdreg $0xFFFFFFFF  }
0x1f: {  	s28 =	simm.s32 $_size_execute0_lowered;
	s3 =	sadd.s32 s3, s5;
	[dreg:$0x0] =	wrdreg $0x0  }
0x20: {  	s5 =	sshll.u32 s28, $0x1;
	[dreg:$0x2] =	wrdreg s3  }
0x21: {  	[dreg:$0x3] =	wrdreg s5  }
0x22: {  	[dreg:$0x4] =	wrdreg $0xC0  }
0x23: {  	_ =	task [dreg:s7], $0x5FFFF  }
0x24: {  	[dreg:$0x1] =	wrdreg $0xFFFFFFFF  }
0x25: {  	[dreg:$0x0] =	wrdreg $0x60  }
0x26: {  	[dreg:$0x2] =	wrdreg s2  }
0x27: {  	[dreg:$0x3] =	wrdreg s25  }
0x28: {  	[dreg:$0x4] =	wrdreg $0x9  }
0x29: {  	_ =	task.clear_ibuf [dreg:s7], $0x5FFFF;
	_ =	strace $0x90000046  }
0x2a: {  	s29 =	simm.s32 $0x9;
	_ =	strace $0x80000048  }
0x2b: {  	_ =	swait.ge [sflag:s29], $0x1  }
0x2c: {  	[sflag:s29] =	ssyncadd.s32 $0xFFFFFFFF  }
0x2d: {  	_ =	strace $0x90000048  }
0x2e: {  	_ =	sfence  }
0x2f: {  	s30 =	sld [smem:$0x0];
	_ =	sdelay $0x2  }
0x30: {  	s31 =	sshll.u32 s1, $0xD;
	s1 =	sshrl.u32 s1, $0x2  }
0x31: {  	s3 =	sand.u32 $0x4000, s31;
	s1 =	sadd.s32 s1, s30  }
0x32: {  	s0 =	sor.u32 s3, s0;
	s1 =	sshll.u32 s1, $0x11  }
0x33: {  	s0 =	sor.u32 s1, s0  }
0x34: {  	s0 =	sadd.s32 $0x8F2B, s0  }
0x35: {  	[sflag:s0] =	ssyncadd.remote.s32 $0x1  }
0x36: {  	_ =	sfence.sel $0xFFFF  }
0x37: {  	[dreg:$0x0] =	wrdreg $0xFFFFFFFF;
	(pc) =	sbr.abs _section_cstart, $3  }
0x38: {  	[dreg:$0x1] =	wrdreg $0xFFFFFFFF  }
0x39: {  	_ =	task.clear_ibuf [dreg:s7], $0x2FFFF;
	_ =	strace $0x9FFFFFFF  }
0x3a: {  	(tm) =	ssettm $0x7FFFFFFF  }
0x3b: {  	_ =	shalt  }
tec
execute0_lowered:
.L_overlay_start_1:
0x0: {  	(tag) =	ssettag $0x1  }
0x1: {  	s2 =	rddreg [dreg:$0x0]  }
0x2: {  	s1 =	rddreg [dreg:$0x1]  }
0x3: {  	s0 =	rddreg [dreg:$0x2]  }
0x4: {  	_ =	strace $0x80000047;
	s4 =	srdreg.scid;
	s6 =	simm.s32 $0x2  }
0x5: {  	s11 =	simm.s32 $0x0;
	p0 =	por $0x0, $0x0;
	s7 =	simm.s32 $0x400  }
.Ltmp0:
0x6: {  	s12 =	simm.s32 $0x0;
	s9 =	simm.s32 $0x0;
	(pc) =	sbr.rel .LBB1_1-.Ltmp0, $4  }
0x7: {  	s8 =	simm.s32 $0x0;
	s3 =	sadd.s32 $0x2400, s1;
	s5 =	sshll.u32 s4, $0x4  }
0x8: {  	s1 =	stileid.u32;
	s4 =	simm.s32 $0x1;
	s5 =	sand.u32 $0x10, s5  }
0x9: {  	s19 =	simm.s32 $0x0;
	[sflag:s4] =	ssyncpa.u1 $0x0;
	s5 =	sor.u32 s1, s5  }
0xa: {  	[sflag:s6] =	ssyncpa.u1 $0x0;
	s6 =	simm.s32 $0x100;
	s10 =	smov.u32 s5  }
.LBB1_7:
0xb: {  	s13 =	sadd.s32 $0x2, s9  }
0xc: {  	s11 =	sadd.s32 $0x20, s10;
	s15 =	smov.u32 s10;
	p2 =	sgt.s32 s13, $0x7  }
0xd: {  	p1 =	slt.u32 s8, $0x2;
	s15 =	smov.u32 @p2 s11  }
0xe: {  	s8 =	sadd.s32 $0x1, s8;
	s13 =	simm.s32 @p2 $0x0;
	p2 =	sgt.s32 s15, $0x1FF  }
0xf: {  	s15 =	smov.u32 @p2 s5;
	p2 =	sne.s32 s8, $0x42  }
.Ltmp1:
0x10: {  	_ = 	snop;
	(pc) =	sbr.rel @!p2 .LBB1_8-.Ltmp1, $4  }
0x11: {  	s14 =	simm.s32 @!p1 $0x2  }
0x12: {  	s12 =	smov.u32 s10;
	_ =	swait.ge @!p1 [sflag:s14], $0x4000  }
0x13: {  	p0 =	por !p0, !p0;
	s11 =	smov.u32 s9;
	[sflag:s14] =	ssyncset.done @!p1 $0x0  }
0x14: {  	s9 =	smov.u32 s13;
	[sflag:s14] =	ssyncadd.s32 @!p1 $0xFFFFC000;
	s10 =	smov.u32 s15  }
.LBB1_1:
0x15: {  	p1 =	sgt.u32 s8, $0x3F  }
0x16: {  	s13 =	sxor.u32 @!p1 $0xFFFFFFFF, s8;
	s14 =	sshll.u32 @!p1 s10, $0xD  }
0x17: {  	s15 =	sshll.u32 @!p1 s9, $0xA;
	s13 =	sshll.u32 @!p1 s13, $0xE;
	s14 =	sadd.s32 @!p1 s2, s14  }
0x18: {  	s13 =	sand.u32 @!p1 $0x4000, s13;
	s14 =	sadd.s32 @!p1 s15, s14;
	s15 =	simm.s32 @!p1 $0x0  }
0x19: {  	[tilespmem:s13], [sflag:$0x1] =	stream.linear.gather @!p1 [hbm4b:s14+s15], $0x4000, $0x38;
	[tilespmem:$0x10000] =	vst v63  }
0x1a: {  	p1 =	seq.s32 s8, $0x0  }
0x1b: {  	p2 =	seq.s32 @!p1 s8, $0x41  }
0x1c: {  	p1 =	por p1, p2  }
.Ltmp2:
0x1d: {  	_ = 	snop;
	(pc) =	sbr.rel @p1 .LBB1_7-.Ltmp2, $1  }
0x1e: {  	_ =	sdelay $0x3  }
0x1f: {  	s13 =	simm.s32 $0x1;
	_ =	swait.ge [sflag:s4], $0x4000  }
0x20: {  	s14 =	sshll.u32 s8, $0xE;
	s16 =	simm.s32 $0x0;
	s13 =	simm.s32 @!p0 $0x0  }
0x21: {  	p2 =	por $0x1, $0x1;
	[sflag:s4] =	ssyncset.done $0x0;
	s13 =	sshll.u32 s13, $0x10  }
0x22: {  	s14 =	sand.u32 $0x4000, s14;
	[sflag:s4] =	ssyncadd.s32 $0xFFFFC000;
	s15 =	sshrl.u32 s13, $0x2  }
0x23: {  	s13 =	sor.u32 $0x8000, s14;
	s14 =	sadd.s32 $0x8040, s15;
	s15 =	sadd.s32 $0x40, s15  }
.LBB1_3:
0x24: {  	s17 =	sshll.u32 s16, $0xD  }
0x25: {  	s17 =	sand.u32 $0x3FFFE000, s17  }
0x26: {  	s17 =	sadd.s32 s17, s15  }
0x27: {  	v0 =	vmov s17;
	_ =	sdelay $0x4  }
0x28: {  	v6 =	vld.idx.msk [tilespmem:v0+s19+$0x30 ss:$0x1], $0xffff  }
0x29: {  	v7 =	vld.idx.msk [tilespmem:v0+s19+$0xFFFFFFC0 ss:$0x1], $0xffff  }
0x2a: {  	v1 =	vld.idx.msk [tilespmem:v0+s19+$0xFFFFFFD0 ss:$0x1], $0xffff  }
0x2b: {  	s31 =	sshll.u32 s16, $0x7;
	v2 =	vld.idx.msk [tilespmem:v0+s19+$0xFFFFFFE0 ss:$0x1], $0xffff  }
0x2c: {  	s16 =	sand.u32 $0x3FFFFF80, s31;
	v3 =	vld.idx.msk [tilespmem:v0+s19+$0xFFFFFFF0 ss:$0x1], $0xffff  }
0x2d: {  	s16 =	sadd.s32 s16, s14;
	v4 =	vld.idx.msk [tilespmem:v0+s19+$0x0 ss:$0x1], $0xffff  }
0x2e: {  	v5 =	vld.idx.msk [tilespmem:v0+s19+$0x10 ss:$0x1], $0xffff;
	[tilespmem:s16+$0x30] =	vst v6  }
0x2f: {  	p1 =	por p2, p2;
	s18 =	simm.s32 $0x400;
	s17 =	simm.s32 $0x80;
	[tilespmem:s16+$0xFFFFFFC0] =	vst v7;
	v6 =	vld.idx.msk [tilespmem:v0+s19+$0x20 ss:$0x1], $0xffff  }
.LBB1_4:
0x30: {  	p2 =	sne.s32 s18, $0x7E00;
	v7 =	vld.idx.msk [tilespmem:v0+s17+$0x30 ss:$0x1], $0xffff;
	[tilespmem:s16+$0xFFFFFFD0] =	vst v1  }
0x31: {  	v8 =	vld.idx.msk [tilespmem:v0+s17+$0xFFFFFFC0 ss:$0x1], $0xffff;
	[tilespmem:s16+$0xFFFFFFE0] =	vst v2  }
0x32: {  	v1 =	vld.idx.msk [tilespmem:v0+s17+$0xFFFFFFD0 ss:$0x1], $0xffff;
	[tilespmem:s16+$0xFFFFFFF0] =	vst v3  }
.Ltmp3:
0x33: {  	v2 =	vld.idx.msk [tilespmem:v0+s17+$0xFFFFFFE0 ss:$0x1], $0xffff;
	[tilespmem:s16+$0x0] =	vst v4;
	(pc) =	sbr.rel @p2 .LBB1_4-.Ltmp3, $4  }
0x34: {  	v3 =	vld.idx.msk [tilespmem:v0+s17+$0xFFFFFFF0 ss:$0x1], $0xffff;
	[tilespmem:s16+$0x10] =	vst v5  }
0x35: {  	v4 =	vld.idx.msk [tilespmem:v0+s17+$0x0 ss:$0x1], $0xffff;
	[tilespmem:s16+$0x20] =	vst v6;
	s16 =	sadd.s32 $0x100, s16  }
0x36: {  	v5 =	vld.idx.msk [tilespmem:v0+s17+$0x10 ss:$0x1], $0xffff;
	[tilespmem:s16+$0x30] =	vst v7  }
0x37: {  	[tilespmem:s16+$0xFFFFFFC0] =	vst v8;
	v6 =	vld.idx.msk [tilespmem:v0+s17+$0x20 ss:$0x1], $0xffff;
	s17 =	sshra.s32 s18, $0x2;
	s18 =	sadd.s32 $0x200, s18  }
0x38: {  	_ =	sdelay $0x2  }
0x39: {  	[tilespmem:s16+$0xFFFFFFD0] =	vst v1  }
0x3a: {  	v56 =	vld.idx.msk [tilespmem:v0+s17+$0x30 ss:$0x1], $0xffff;
	[tilespmem:s16+$0xFFFFFFE0] =	vst v2  }
0x3b: {  	v57 =	vld.idx.msk [tilespmem:v0+s17+$0xFFFFFFC0 ss:$0x1], $0xffff;
	[tilespmem:s16+$0xFFFFFFF0] =	vst v3  }
0x3c: {  	v58 =	vld.idx.msk [tilespmem:v0+s17+$0xFFFFFFD0 ss:$0x1], $0xffff;
	[tilespmem:s16+$0x0] =	vst v4  }
0x3d: {  	v59 =	vld.idx.msk [tilespmem:v0+s17+$0xFFFFFFE0 ss:$0x1], $0xffff;
	[tilespmem:s16+$0x10] =	vst v5  }
0x3e: {  	v60 =	vld.idx.msk [tilespmem:v0+s17+$0xFFFFFFF0 ss:$0x1], $0xffff;
	s31 =	sadd.s32 $0x100, s16;
	[tilespmem:s16+$0x20] =	vst v6  }
0x3f: {  	v61 =	vld.idx.msk [tilespmem:v0+s17+$0x0 ss:$0x1], $0xffff;
	[tilespmem:s31+$0x30] =	vst v56  }
0x40: {  	v62 =	vld.idx.msk [tilespmem:v0+s17+$0x10 ss:$0x1], $0xffff;
	[tilespmem:s31+$0xFFFFFFC0] =	vst v57  }
0x41: {  	v63 =	vld.idx.msk [tilespmem:v0+s17+$0x20 ss:$0x1], $0xffff;
	[tilespmem:s31+$0xFFFFFFD0] =	vst v58  }
.Ltmp4:
0x42: {  	[tilespmem:s31+$0xFFFFFFE0] =	vst v59;
	(pc) =	sbr.rel @p1 .LBB1_3-.Ltmp4, $4  }
0x43: {  	[tilespmem:s31+$0xFFFFFFF0] =	vst v60  }
0x44: {  	[tilespmem:s31+$0x0] =	vst v61  }
0x45: {  	[tilespmem:s31+$0x10] =	vst v62  }
0x46: {  	p2 =	por $0x0, $0x0;
	s16 =	simm.s32 $0x1;
	[tilespmem:s31+$0x20] =	vst v63  }
.Ltmp5:
0x47: {  	(pc) =	sbr.rel .LBB1_7-.Ltmp5, $4  }
0x48: {  	s12 =	sshll.u32 s12, $0xD;
	s11 =	sshll.u32 s11, $0x4  }
0x49: {  	s11 =	sand.u32 $0x70, s11;
	s12 =	sadd.s32 s3, s12  }
0x4a: {  	s11 =	sadd.s32 s11, s12  }
0x4b: {  	[hbm4b:s11+s6] =	stream.strided.scatter [tilespmem:s13], [sflag:$0x2], $0x4000, s7, s6, $0x38;
	[tilespmem:$0x10000] =	vst v63  }
.LBB1_8:
0x4c: {  	_ =	sfence.sel $0x180000  }
0x4d: {  	s2 =	simm.s32 $0x1;
	[bflag:$0x0] =	sbarrier.arrive $0xFFFF  }
0x4e: {  	s31 =	simm.s32 $0x2;
	[sflag:s2] =	ssyncpa.u1 $0x1  }
0x4f: {  	[sflag:s31] =	ssyncpa.u1 $0x1  }
0x50: {  	p0 =	sne.s32 s1, $0x0;
	_ =	strace $0x90000047  }
0x51: {  	s0 =	sadd.s32 @!p0 $0x100000, s0;
	[bflag:$0x2] =	sbarrier.arrive $0xFFFF  }
0x52: {  	[sflag:s0] =	ssyncadd.tile.s32 @!p0 $0x1;
	_ =	shalt  }
.Lfunc_end1:
_tile_overlayer_lowered:
.L_overlay_start_2:
0x53: {  	(tag) =	ssettag $0x2  }
0x54: {  	s0 =	rddreg [dreg:$0x0];
	s2 =	stileid.u32  }
0x55: {  	s1 =	rddreg [dreg:$0x1];
	p0 =	sne.s32 s2, $0x0  }
0x56: {  	s3 =	rddreg [dreg:$0x2];
	[bflag:$0x3] =	sbarrier.arrive $0xFFFF;
	s2 =	simm.s32 @!p0 $0x1C01  }
0x57: {  	[timem:s3], [sflag:s2] =	dma.local @!p0 [hbm:s0], s1  }
0x58: {  	s0 =	simm.s32 @!p0 $0x1  }
0x59: {  	_ =	swait.ge @!p0 [sflag:s0], s1  }
0x5a: {  	s1 =	ssub.s32 @!p0 $0x0, s1;
	[sflag:s0] =	ssyncset.done @!p0 $0x0  }
0x5b: {  	[sflag:s0] =	ssyncadd.s32 @!p0 s1  }
0x5c: {  	[bflag:$0x3] =	sbarrier.arrive $0xFFFF  }
0x5d: {  	_ =	shalt  }

</sc_bundles>
